<compile_context>
chip_gen: v7x
topology: tpu7x:2x2x1
jax: 0.10.2.dev20260603
libtpu: 0.0.44.dev20260713+nightly
codegen_flags: <defaults>
</compile_context>

<pallas_src>
import functools
import math

import jax
import jax.numpy as jnp
from jax import lax
from jax.experimental import pallas as pl
from jax.experimental.pallas import tpu as pltpu
from jax.experimental.pallas import tpu_sc as plsc

D_MODEL = 64
SCALE = math.sqrt(D_MODEL)
LANES = 16
IDX_ROW = 128
ROWS_PER_CHUNK = 2
CHUNK = IDX_ROW * ROWS_PER_CHUNK


def _make_kernel(n_total):
    info = plsc.get_sparse_core_info()
    nw = info.num_cores * info.num_subcores
    per_w = n_total // nw
    n_chunks = per_w // CHUNK
    assert per_w % CHUNK == 0 and n_chunks % 2 == 0

    mesh = plsc.VectorSubcoreMesh(core_axis_name="c", subcore_axis_name="s")

    @functools.partial(
        pl.kernel,
        mesh=mesh,
        out_type=jax.ShapeDtypeStruct((n_total, D_MODEL), jnp.float32),
        scratch_types=[
            pltpu.VMEM((2, ROWS_PER_CHUNK, IDX_ROW), jnp.int32),
            pltpu.VMEM((2, ROWS_PER_CHUNK, IDX_ROW), jnp.int32),
            pltpu.VMEM((CHUNK, 2 * D_MODEL), jnp.float32),
            pltpu.VMEM((CHUNK, 2 * D_MODEL), jnp.float32),
            pltpu.VMEM((CHUNK, D_MODEL), jnp.float32),
            pltpu.SemaphoreType.DMA,
            pltpu.SemaphoreType.DMA,
        ],
        compiler_params=pltpu.CompilerParams(needs_layout_passes=False),
    )
    def emb(x_hbm, lut2_hbm, out_hbm, idx_v, gidx_v, g0_v, g1_v, stg_v,
            sem0, sem1):
        wid = lax.axis_index("s") * info.num_cores + lax.axis_index("c")
        idx_row_base = wid * (per_w // IDX_ROW)
        out_base = wid * per_w
        gath = (g0_v, g1_v)
        sems = (sem0, sem1)
        iota = lax.iota(jnp.int32, LANES)

        def start_gathers(g, buf):
            pltpu.sync_copy(
                x_hbm.at[pl.ds(idx_row_base + g * ROWS_PER_CHUNK, ROWS_PER_CHUNK)],
                idx_v.at[buf],
            )
            for j in range(ROWS_PER_CHUNK):
                for k in range(IDX_ROW // LANES):
                    ids = idx_v[buf, j, pl.ds(k * LANES, LANES)]
                    gidx_v[buf, j, pl.ds(k * LANES, LANES)] = ids >> 1
            for j in range(ROWS_PER_CHUNK):
                pltpu.async_copy(
                    lut2_hbm.at[gidx_v.at[buf, j]],
                    gath[buf].at[pl.ds(j * IDX_ROW, IDX_ROW)],
                    sems[buf],
                )

        def drain_gathers(buf):
            for j in range(ROWS_PER_CHUNK):
                pltpu.make_async_copy(
                    lut2_hbm.at[gidx_v.at[buf, j]],
                    gath[buf].at[pl.ds(j * IDX_ROW, IDX_ROW)],
                    sems[buf],
                ).wait()

        start_gathers(0, 0)

        def pair_body(g2, _):
            for b in range(2):
                g = 2 * g2 + b
                p, q = b, 1 - b
                drain_gathers(p)

                @pl.when(g + 1 < n_chunks)
                def _():
                    start_gathers(g + 1, q)

                @plsc.parallel_loop(0, CHUNK, step=1, unroll=4)
                def _(i):
                    row = jnp.full((LANES,), i, jnp.int32)
                    ids = plsc.load_gather(
                        idx_v, [jnp.full((LANES,), p, jnp.int32),
                                row >> 7, jnp.full((LANES,), i & 127, jnp.int32)]
                    )
                    half = (ids & 1) << 6
                    for j in range(D_MODEL // LANES):
                        v = plsc.load_gather(gath[p], [row, half + (j * LANES) + iota])
                        stg_v[i, pl.ds(j * LANES, LANES)] = v * SCALE

                pltpu.sync_copy(
                    stg_v, out_hbm.at[pl.ds(out_base + g * CHUNK, CHUNK)]
                )
            return 0

        lax.fori_loop(0, n_chunks // 2, pair_body, 0)

    return emb


def kernel(x, lut):
    b, s = x.shape
    n = b * s
    xi = x.reshape(n // IDX_ROW, IDX_ROW).astype(jnp.int32)
    lut2 = lut.reshape(lut.shape[0] // 2, 2 * D_MODEL)
    out = _make_kernel(n)(xi, lut2)
    return out.reshape(b, s, D_MODEL)

# --- scband reference (transcript-rebuilt; emitter-appended) ---
"""Pipeline reference for scband-embeddings-249108103334 (READ-ONLY COPY).

The authoritative reference and input builder live on the scoring server;
editing this copy changes nothing except your own understanding.
"""

import jax, jax.numpy as jnp
import numpy as np
import math

D_MODEL = 64
VOCAB = 1000000

def setup_inputs(seed: int = 0) -> dict:
    key = jax.random.key(seed)
    k1, k2 = jax.random.split(key)
    x = jax.random.randint(k1, (4096, 200), 0, VOCAB, dtype=jnp.int64) if jax.config.jax_enable_x64 else jax.random.randint(k1, (4096, 200), 0, VOCAB, dtype=jnp.int32)
    lut = jax.random.normal(k2, (VOCAB, D_MODEL), dtype=jnp.float32)
    return {"x": x, "lut": lut}

def reference(x, lut):
    # Embeddings.forward: self.lut(x) * sqrt(d_model)
    emb = jnp.take(lut, x, axis=0)
    return emb * math.sqrt(D_MODEL)

if __name__ == "__main__":
    import jax
    _d = setup_inputs()
    print(jax.jit(kernel)(*tuple(_d.values())))

</pallas_src>

<mosaic_0001>
#map = affine_map<(d0, d1) -> (0, 0)>
module attributes {stable_mosaic.version = 14 : i64} {
  func.func @emb(%arg0: i32, %arg1: i32, %arg2: memref<6400x128xi32, #tpu.memory_space<hbm>>, %arg3: memref<500000x128xf32, #tpu.memory_space<hbm>>, %arg4: memref<819200x64xf32, #tpu.memory_space<hbm>>, %arg5: memref<2x2x128xi32, #tpu.memory_space<vmem>>, %arg6: memref<2x2x128xi32, #tpu.memory_space<vmem>>, %arg7: memref<256x128xf32, #tpu.memory_space<vmem>>, %arg8: memref<256x128xf32, #tpu.memory_space<vmem>>, %arg9: memref<256x64xf32, #tpu.memory_space<vmem>>, %arg10: memref<!tpu.dma_semaphore, #tpu.memory_space<semaphore_mem>>, %arg11: memref<!tpu.dma_semaphore, #tpu.memory_space<semaphore_mem>>) attributes {dimension_semantics = [#tpu.dimension_semantics<core_parallel>, #tpu.dimension_semantics<subcore_parallel>], iteration_bounds = array<i64: 2, 16>, scalar_prefetch = 0 : i64, scratch_operands = 7 : i64, tpu.core_type = #tpu.core_type<sc_vector_subcore>, window_params = [{transform_indices = #map}, {transform_indices = #map}, {transform_indices = #map}]} {
    %mul3A = arith.constant 2 : i32
    %mul3A_0 = arith.muli %arg1, %mul3A : i32
    %add3A = arith.addi %mul3A_0, %arg0 : i32
    %mul3A_1 = arith.constant 200 : i32
    %mul3A_2 = arith.muli %add3A, %mul3A_1 : i32
    %mul3A_3 = arith.constant 25600 : i32
    %mul3A_4 = arith.muli %add3A, %mul3A_3 : i32
    %iota3A = tpu.iota {dimensions = array<i32: 0>} : vector<16xi32>
    %add3A_5 = arith.constant 0 : i32
    %add3A_6 = arith.addi %mul3A_2, %add3A_5 : i32
    %run_scoped3A = arith.constant 0 : i32
    "tpu.region"() ({
      %run_scoped3A_271 = tpu.sem_alloc : memref<!tpu.dma_semaphore, #tpu.memory_space<semaphore_mem>>
      %dma_start3A_272 = arith.constant 0 : i32
      %dma_start3A_273 = arith.constant 0 : i32
      %dma_start3A_274 = tpu.memref_slice %arg5[%run_scoped3A, %dma_start3A_272, %dma_start3A_273] : memref<2x2x128xi32, #tpu.memory_space<vmem>> -> memref<1x2x128xi32, #tpu.memory_space<vmem>>
      %dma_start3A_275 = tpu.memref_squeeze %dma_start3A_274 : memref<1x2x128xi32, #tpu.memory_space<vmem>> -> memref<2x128xi32, #tpu.memory_space<vmem>>
      %dma_start3A_276 = arith.constant 0 : i32
      %dma_start3A_277 = tpu.memref_slice %arg2[%add3A_6, %dma_start3A_276] : memref<6400x128xi32, #tpu.memory_space<hbm>> -> memref<2x128xi32, #tpu.memory_space<hbm>>
      %dma_start3A_278 = arith.constant 0 : i32
      %dma_start3A_279 = arith.constant 0 : i32
      %dma_start3A_280 = tpu.memref_slice %arg5[%run_scoped3A, %dma_start3A_278, %dma_start3A_279] : memref<2x2x128xi32, #tpu.memory_space<vmem>> -> memref<1x2x128xi32, #tpu.memory_space<vmem>>
      %dma_start3A_281 = tpu.memref_squeeze %dma_start3A_280 : memref<1x2x128xi32, #tpu.memory_space<vmem>> -> memref<2x128xi32, #tpu.memory_space<vmem>>
      %dma_start3A_282 = arith.constant 0 : i32
      %dma_start3A_283 = tpu.memref_slice %arg2[%add3A_6, %dma_start3A_282] : memref<6400x128xi32, #tpu.memory_space<hbm>> -> memref<2x128xi32, #tpu.memory_space<hbm>>
      tpu.enqueue_dma source(%dma_start3A_283 : memref<2x128xi32, #tpu.memory_space<hbm>>) target(%dma_start3A_281 : memref<2x128xi32, #tpu.memory_space<vmem>>) target_semaphore(%run_scoped3A_271 : memref<!tpu.dma_semaphore, #tpu.memory_space<semaphore_mem>>)
      %dma_wait3A = arith.constant 0 : i32
      %dma_wait3A_284 = arith.constant 0 : i32
      %dma_wait3A_285 = tpu.memref_slice %arg5[%run_scoped3A, %dma_wait3A, %dma_wait3A_284] : memref<2x2x128xi32, #tpu.memory_space<vmem>> -> memref<1x2x128xi32, #tpu.memory_space<vmem>>
      %dma_wait3A_286 = tpu.memref_squeeze %dma_wait3A_285 : memref<1x2x128xi32, #tpu.memory_space<vmem>> -> memref<2x128xi32, #tpu.memory_space<vmem>>
      %dma_wait3A_287 = arith.constant 0 : i32
      %dma_wait3A_288 = tpu.memref_slice %arg2[%add3A_6, %dma_wait3A_287] : memref<6400x128xi32, #tpu.memory_space<hbm>> -> memref<2x128xi32, #tpu.memory_space<hbm>>
      %dma_wait3A_289 = arith.constant 0 : i32
      %dma_wait3A_290 = arith.constant 0 : i32
      %dma_wait3A_291 = tpu.memref_slice %arg5[%run_scoped3A, %dma_wait3A_289, %dma_wait3A_290] : memref<2x2x128xi32, #tpu.memory_space<vmem>> -> memref<1x2x128xi32, #tpu.memory_space<vmem>>
      %dma_wait3A_292 = tpu.memref_squeeze %dma_wait3A_291 : memref<1x2x128xi32, #tpu.memory_space<vmem>> -> memref<2x128xi32, #tpu.memory_space<vmem>>
      %dma_wait3A_293 = arith.constant 0 : i32
      %dma_wait3A_294 = tpu.memref_slice %arg2[%add3A_6, %dma_wait3A_293] : memref<6400x128xi32, #tpu.memory_space<hbm>> -> memref<2x128xi32, #tpu.memory_space<hbm>>
      tpu.wait_dma2 semaphore(%run_scoped3A_271 : memref<!tpu.dma_semaphore, #tpu.memory_space<semaphore_mem>>) src(%dma_wait3A_294 : memref<2x128xi32, #tpu.memory_space<hbm>>) dst(%dma_wait3A_292 : memref<2x128xi32, #tpu.memory_space<vmem>>)
      tpu.yield
    }) : () -> ()
    %get3A = arith.constant 0 : i32
    %get3A_7 = arith.constant 0 : i32
    %get3A_8 = arith.index_cast %get3A : i32 to index
    %get3A_9 = arith.index_cast %get3A_7 : i32 to index
    %get3A_10 = arith.constant 0 : index
    %get3A_11 = tpu.vector_load %arg5[%get3A_8, %get3A_9, %get3A_10] {strides = array<i32>} : memref<2x2x128xi32, #tpu.memory_space<vmem>>, vector<16xi32>,
    %shift_right_arithmetic3A = arith.constant 1 : i32
    %shift_right_arithmetic3A_12 = vector.broadcast %shift_right_arithmetic3A : i32 to vector<16xi32>
    %shift_right_arithmetic3A_13 = arith.shrsi %get3A_11, %shift_right_arithmetic3A_12 : vector<16xi32>
    %swap3A = arith.constant 0 : i32
    %swap3A_14 = arith.constant 0 : i32
    %swap3A_15 = arith.index_cast %swap3A : i32 to index
    %swap3A_16 = arith.index_cast %swap3A_14 : i32 to index
    %swap3A_17 = arith.constant 0 : index
    %swap3A_18 = tpu.vector_load %arg6[%swap3A_15, %swap3A_16, %swap3A_17] {strides = array<i32>} : memref<2x2x128xi32, #tpu.memory_space<vmem>>, vector<16xi32>,
    tpu.vector_store %arg6[%swap3A_15, %swap3A_16, %swap3A_17], %shift_right_arithmetic3A_13 {strides = array<i32>} : memref<2x2x128xi32, #tpu.memory_space<vmem>>, vector<16xi32>,
    %get3A_19 = arith.constant 0 : i32
    %get3A_20 = arith.constant 0 : i32
    %get3A_21 = arith.index_cast %get3A_19 : i32 to index
    %get3A_22 = arith.index_cast %get3A_20 : i32 to index
    %get3A_23 = arith.constant 16 : index
    %get3A_24 = tpu.vector_load %arg5[%get3A_21, %get3A_22, %get3A_23] {strides = array<i32>} : memref<2x2x128xi32, #tpu.memory_space<vmem>>, vector<16xi32>,
    %shift_right_arithmetic3A_25 = arith.constant 1 : i32
    %shift_right_arithmetic3A_26 = vector.broadcast %shift_right_arithmetic3A_25 : i32 to vector<16xi32>
    %shift_right_arithmetic3A_27 = arith.shrsi %get3A_24, %shift_right_arithmetic3A_26 : vector<16xi32>
    %swap3A_28 = arith.constant 0 : i32
    %swap3A_29 = arith.constant 0 : i32
    %swap3A_30 = arith.index_cast %swap3A_28 : i32 to index
    %swap3A_31 = arith.index_cast %swap3A_29 : i32 to index
    %swap3A_32 = arith.constant 16 : index
    %swap3A_33 = tpu.vector_load %arg6[%swap3A_30, %swap3A_31, %swap3A_32] {strides = array<i32>} : memref<2x2x128xi32, #tpu.memory_space<vmem>>, vector<16xi32>,
    tpu.vector_store %arg6[%swap3A_30, %swap3A_31, %swap3A_32], %shift_right_arithmetic3A_27 {strides = array<i32>} : memref<2x2x128xi32, #tpu.memory_space<vmem>>, vector<16xi32>,
    %get3A_34 = arith.constant 0 : i32
    %get3A_35 = arith.constant 0 : i32
    %get3A_36 = arith.index_cast %get3A_34 : i32 to index
    %get3A_37 = arith.index_cast %get3A_35 : i32 to index
    %get3A_38 = arith.constant 32 : index
    %get3A_39 = tpu.vector_load %arg5[%get3A_36, %get3A_37, %get3A_38] {strides = array<i32>} : memref<2x2x128xi32, #tpu.memory_space<vmem>>, vector<16xi32>,
    %shift_right_arithmetic3A_40 = arith.constant 1 : i32
    %shift_right_arithmetic3A_41 = vector.broadcast %shift_right_arithmetic3A_40 : i32 to vector<16xi32>
    %shift_right_arithmetic3A_42 = arith.shrsi %get3A_39, %shift_right_arithmetic3A_41 : vector<16xi32>
    %swap3A_43 = arith.constant 0 : i32
    %swap3A_44 = arith.constant 0 : i32
    %swap3A_45 = arith.index_cast %swap3A_43 : i32 to index
    %swap3A_46 = arith.index_cast %swap3A_44 : i32 to index
    %swap3A_47 = arith.constant 32 : index
    %swap3A_48 = tpu.vector_load %arg6[%swap3A_45, %swap3A_46, %swap3A_47] {strides = array<i32>} : memref<2x2x128xi32, #tpu.memory_space<vmem>>, vector<16xi32>,
    tpu.vector_store %arg6[%swap3A_45, %swap3A_46, %swap3A_47], %shift_right_arithmetic3A_42 {strides = array<i32>} : memref<2x2x128xi32, #tpu.memory_space<vmem>>, vector<16xi32>,
    %get3A_49 = arith.constant 0 : i32
    %get3A_50 = arith.constant 0 : i32
    %get3A_51 = arith.index_cast %get3A_49 : i32 to index
    %get3A_52 = arith.index_cast %get3A_50 : i32 to index
    %get3A_53 = arith.constant 48 : index
    %get3A_54 = tpu.vector_load %arg5[%get3A_51, %get3A_52, %get3A_53] {strides = array<i32>} : memref<2x2x128xi32, #tpu.memory_space<vmem>>, vector<16xi32>,
    %shift_right_arithmetic3A_55 = arith.constant 1 : i32
    %shift_right_arithmetic3A_56 = vector.broadcast %shift_right_arithmetic3A_55 : i32 to vector<16xi32>
    %shift_right_arithmetic3A_57 = arith.shrsi %get3A_54, %shift_right_arithmetic3A_56 : vector<16xi32>
    %swap3A_58 = arith.constant 0 : i32
    %swap3A_59 = arith.constant 0 : i32
    %swap3A_60 = arith.index_cast %swap3A_58 : i32 to index
    %swap3A_61 = arith.index_cast %swap3A_59 : i32 to index
    %swap3A_62 = arith.constant 48 : index
    %swap3A_63 = tpu.vector_load %arg6[%swap3A_60, %swap3A_61, %swap3A_62] {strides = array<i32>} : memref<2x2x128xi32, #tpu.memory_space<vmem>>, vector<16xi32>,
    tpu.vector_store %arg6[%swap3A_60, %swap3A_61, %swap3A_62], %shift_right_arithmetic3A_57 {strides = array<i32>} : memref<2x2x128xi32, #tpu.memory_space<vmem>>, vector<16xi32>,
    %get3A_64 = arith.constant 0 : i32
    %get3A_65 = arith.constant 0 : i32
    %get3A_66 = arith.index_cast %get3A_64 : i32 to index
    %get3A_67 = arith.index_cast %get3A_65 : i32 to index
    %get3A_68 = arith.constant 64 : index
    %get3A_69 = tpu.vector_load %arg5[%get3A_66, %get3A_67, %get3A_68] {strides = array<i32>} : memref<2x2x128xi32, #tpu.memory_space<vmem>>, vector<16xi32>,
    %shift_right_arithmetic3A_70 = arith.constant 1 : i32
    %shift_right_arithmetic3A_71 = vector.broadcast %shift_right_arithmetic3A_70 : i32 to vector<16xi32>
    %shift_right_arithmetic3A_72 = arith.shrsi %get3A_69, %shift_right_arithmetic3A_71 : vector<16xi32>
    %swap3A_73 = arith.constant 0 : i32
    %swap3A_74 = arith.constant 0 : i32
    %swap3A_75 = arith.index_cast %swap3A_73 : i32 to index
    %swap3A_76 = arith.index_cast %swap3A_74 : i32 to index
    %swap3A_77 = arith.constant 64 : index
    %swap3A_78 = tpu.vector_load %arg6[%swap3A_75, %swap3A_76, %swap3A_77] {strides = array<i32>} : memref<2x2x128xi32, #tpu.memory_space<vmem>>, vector<16xi32>,
    tpu.vector_store %arg6[%swap3A_75, %swap3A_76, %swap3A_77], %shift_right_arithmetic3A_72 {strides = array<i32>} : memref<2x2x128xi32, #tpu.memory_space<vmem>>, vector<16xi32>,
    %get3A_79 = arith.constant 0 : i32
    %get3A_80 = arith.constant 0 : i32
    %get3A_81 = arith.index_cast %get3A_79 : i32 to index
    %get3A_82 = arith.index_cast %get3A_80 : i32 to index
    %get3A_83 = arith.constant 80 : index
    %get3A_84 = tpu.vector_load %arg5[%get3A_81, %get3A_82, %get3A_83] {strides = array<i32>} : memref<2x2x128xi32, #tpu.memory_space<vmem>>, vector<16xi32>,
    %shift_right_arithmetic3A_85 = arith.constant 1 : i32
    %shift_right_arithmetic3A_86 = vector.broadcast %shift_right_arithmetic3A_85 : i32 to vector<16xi32>
    %shift_right_arithmetic3A_87 = arith.shrsi %get3A_84, %shift_right_arithmetic3A_86 : vector<16xi32>
    %swap3A_88 = arith.constant 0 : i32
    %swap3A_89 = arith.constant 0 : i32
    %swap3A_90 = arith.index_cast %swap3A_88 : i32 to index
    %swap3A_91 = arith.index_cast %swap3A_89 : i32 to index
    %swap3A_92 = arith.constant 80 : index
    %swap3A_93 = tpu.vector_load %arg6[%swap3A_90, %swap3A_91, %swap3A_92] {strides = array<i32>} : memref<2x2x128xi32, #tpu.memory_space<vmem>>, vector<16xi32>,
    tpu.vector_store %arg6[%swap3A_90, %swap3A_91, %swap3A_92], %shift_right_arithmetic3A_87 {strides = array<i32>} : memref<2x2x128xi32, #tpu.memory_space<vmem>>, vector<16xi32>,
    %get3A_94 = arith.constant 0 : i32
    %get3A_95 = arith.constant 0 : i32
    %get3A_96 = arith.index_cast %get3A_94 : i32 to index
    %get3A_97 = arith.index_cast %get3A_95 : i32 to index
    %get3A_98 = arith.constant 96 : index
    %get3A_99 = tpu.vector_load %arg5[%get3A_96, %get3A_97, %get3A_98] {strides = array<i32>} : memref<2x2x128xi32, #tpu.memory_space<vmem>>, vector<16xi32>,
    %shift_right_arithmetic3A_100 = arith.constant 1 : i32
    %shift_right_arithmetic3A_101 = vector.broadcast %shift_right_arithmetic3A_100 : i32 to vector<16xi32>
    %shift_right_arithmetic3A_102 = arith.shrsi %get3A_99, %shift_right_arithmetic3A_101 : vector<16xi32>
    %swap3A_103 = arith.constant 0 : i32
    %swap3A_104 = arith.constant 0 : i32
    %swap3A_105 = arith.index_cast %swap3A_103 : i32 to index
    %swap3A_106 = arith.index_cast %swap3A_104 : i32 to index
    %swap3A_107 = arith.constant 96 : index
    %swap3A_108 = tpu.vector_load %arg6[%swap3A_105, %swap3A_106, %swap3A_107] {strides = array<i32>} : memref<2x2x128xi32, #tpu.memory_space<vmem>>, vector<16xi32>,
    tpu.vector_store %arg6[%swap3A_105, %swap3A_106, %swap3A_107], %shift_right_arithmetic3A_102 {strides = array<i32>} : memref<2x2x128xi32, #tpu.memory_space<vmem>>, vector<16xi32>,
    %get3A_109 = arith.constant 0 : i32
    %get3A_110 = arith.constant 0 : i32
    %get3A_111 = arith.index_cast %get3A_109 : i32 to index
    %get3A_112 = arith.index_cast %get3A_110 : i32 to index
    %get3A_113 = arith.constant 112 : index
    %get3A_114 = tpu.vector_load %arg5[%get3A_111, %get3A_112, %get3A_113] {strides = array<i32>} : memref<2x2x128xi32, #tpu.memory_space<vmem>>, vector<16xi32>,
    %shift_right_arithmetic3A_115 = arith.constant 1 : i32
    %shift_right_arithmetic3A_116 = vector.broadcast %shift_right_arithmetic3A_115 : i32 to vector<16xi32>
    %shift_right_arithmetic3A_117 = arith.shrsi %get3A_114, %shift_right_arithmetic3A_116 : vector<16xi32>
    %swap3A_118 = arith.constant 0 : i32
    %swap3A_119 = arith.constant 0 : i32
    %swap3A_120 = arith.index_cast %swap3A_118 : i32 to index
    %swap3A_121 = arith.index_cast %swap3A_119 : i32 to index
    %swap3A_122 = arith.constant 112 : index
    %swap3A_123 = tpu.vector_load %arg6[%swap3A_120, %swap3A_121, %swap3A_122] {strides = array<i32>} : memref<2x2x128xi32, #tpu.memory_space<vmem>>, vector<16xi32>,
    tpu.vector_store %arg6[%swap3A_120, %swap3A_121, %swap3A_122], %shift_right_arithmetic3A_117 {strides = array<i32>} : memref<2x2x128xi32, #tpu.memory_space<vmem>>, vector<16xi32>,
    %get3A_124 = arith.constant 0 : i32
    %get3A_125 = arith.constant 1 : i32
    %get3A_126 = arith.index_cast %get3A_124 : i32 to index
    %get3A_127 = arith.index_cast %get3A_125 : i32 to index
    %get3A_128 = arith.constant 0 : index
    %get3A_129 = tpu.vector_load %arg5[%get3A_126, %get3A_127, %get3A_128] {strides = array<i32>} : memref<2x2x128xi32, #tpu.memory_space<vmem>>, vector<16xi32>,
    %shift_right_arithmetic3A_130 = arith.constant 1 : i32
    %shift_right_arithmetic3A_131 = vector.broadcast %shift_right_arithmetic3A_130 : i32 to vector<16xi32>
    %shift_right_arithmetic3A_132 = arith.shrsi %get3A_129, %shift_right_arithmetic3A_131 : vector<16xi32>
    %swap3A_133 = arith.constant 0 : i32
    %swap3A_134 = arith.constant 1 : i32
    %swap3A_135 = arith.index_cast %swap3A_133 : i32 to index
    %swap3A_136 = arith.index_cast %swap3A_134 : i32 to index
    %swap3A_137 = arith.constant 0 : index
    %swap3A_138 = tpu.vector_load %arg6[%swap3A_135, %swap3A_136, %swap3A_137] {strides = array<i32>} : memref<2x2x128xi32, #tpu.memory_space<vmem>>, vector<16xi32>,
    tpu.vector_store %arg6[%swap3A_135, %swap3A_136, %swap3A_137], %shift_right_arithmetic3A_132 {strides = array<i32>} : memref<2x2x128xi32, #tpu.memory_space<vmem>>, vector<16xi32>,
    %get3A_139 = arith.constant 0 : i32
    %get3A_140 = arith.constant 1 : i32
    %get3A_141 = arith.index_cast %get3A_139 : i32 to index
    %get3A_142 = arith.index_cast %get3A_140 : i32 to index
    %get3A_143 = arith.constant 16 : index
    %get3A_144 = tpu.vector_load %arg5[%get3A_141, %get3A_142, %get3A_143] {strides = array<i32>} : memref<2x2x128xi32, #tpu.memory_space<vmem>>, vector<16xi32>,
    %shift_right_arithmetic3A_145 = arith.constant 1 : i32
    %shift_right_arithmetic3A_146 = vector.broadcast %shift_right_arithmetic3A_145 : i32 to vector<16xi32>
    %shift_right_arithmetic3A_147 = arith.shrsi %get3A_144, %shift_right_arithmetic3A_146 : vector<16xi32>
    %swap3A_148 = arith.constant 0 : i32
    %swap3A_149 = arith.constant 1 : i32
    %swap3A_150 = arith.index_cast %swap3A_148 : i32 to index
    %swap3A_151 = arith.index_cast %swap3A_149 : i32 to index
    %swap3A_152 = arith.constant 16 : index
    %swap3A_153 = tpu.vector_load %arg6[%swap3A_150, %swap3A_151, %swap3A_152] {strides = array<i32>} : memref<2x2x128xi32, #tpu.memory_space<vmem>>, vector<16xi32>,
    tpu.vector_store %arg6[%swap3A_150, %swap3A_151, %swap3A_152], %shift_right_arithmetic3A_147 {strides = array<i32>} : memref<2x2x128xi32, #tpu.memory_space<vmem>>, vector<16xi32>,
    %get3A_154 = arith.constant 0 : i32
    %get3A_155 = arith.constant 1 : i32
    %get3A_156 = arith.index_cast %get3A_154 : i32 to index
    %get3A_157 = arith.index_cast %get3A_155 : i32 to index
    %get3A_158 = arith.constant 32 : index
    %get3A_159 = tpu.vector_load %arg5[%get3A_156, %get3A_157, %get3A_158] {strides = array<i32>} : memref<2x2x128xi32, #tpu.memory_space<vmem>>, vector<16xi32>,
    %shift_right_arithmetic3A_160 = arith.constant 1 : i32
    %shift_right_arithmetic3A_161 = vector.broadcast %shift_right_arithmetic3A_160 : i32 to vector<16xi32>
    %shift_right_arithmetic3A_162 = arith.shrsi %get3A_159, %shift_right_arithmetic3A_161 : vector<16xi32>
    %swap3A_163 = arith.constant 0 : i32
    %swap3A_164 = arith.constant 1 : i32
    %swap3A_165 = arith.index_cast %swap3A_163 : i32 to index
    %swap3A_166 = arith.index_cast %swap3A_164 : i32 to index
    %swap3A_167 = arith.constant 32 : index
    %swap3A_168 = tpu.vector_load %arg6[%swap3A_165, %swap3A_166, %swap3A_167] {strides = array<i32>} : memref<2x2x128xi32, #tpu.memory_space<vmem>>, vector<16xi32>,
    tpu.vector_store %arg6[%swap3A_165, %swap3A_166, %swap3A_167], %shift_right_arithmetic3A_162 {strides = array<i32>} : memref<2x2x128xi32, #tpu.memory_space<vmem>>, vector<16xi32>,
    %get3A_169 = arith.constant 0 : i32
    %get3A_170 = arith.constant 1 : i32
    %get3A_171 = arith.index_cast %get3A_169 : i32 to index
    %get3A_172 = arith.index_cast %get3A_170 : i32 to index
    %get3A_173 = arith.constant 48 : index
    %get3A_174 = tpu.vector_load %arg5[%get3A_171, %get3A_172, %get3A_173] {strides = array<i32>} : memref<2x2x128xi32, #tpu.memory_space<vmem>>, vector<16xi32>,
    %shift_right_arithmetic3A_175 = arith.constant 1 : i32
    %shift_right_arithmetic3A_176 = vector.broadcast %shift_right_arithmetic3A_175 : i32 to vector<16xi32>
    %shift_right_arithmetic3A_177 = arith.shrsi %get3A_174, %shift_right_arithmetic3A_176 : vector<16xi32>
    %swap3A_178 = arith.constant 0 : i32
    %swap3A_179 = arith.constant 1 : i32
    %swap3A_180 = arith.index_cast %swap3A_178 : i32 to index
    %swap3A_181 = arith.index_cast %swap3A_179 : i32 to index
    %swap3A_182 = arith.constant 48 : index
    %swap3A_183 = tpu.vector_load %arg6[%swap3A_180, %swap3A_181, %swap3A_182] {strides = array<i32>} : memref<2x2x128xi32, #tpu.memory_space<vmem>>, vector<16xi32>,
    tpu.vector_store %arg6[%swap3A_180, %swap3A_181, %swap3A_182], %shift_right_arithmetic3A_177 {strides = array<i32>} : memref<2x2x128xi32, #tpu.memory_space<vmem>>, vector<16xi32>,
    %get3A_184 = arith.constant 0 : i32
    %get3A_185 = arith.constant 1 : i32
    %get3A_186 = arith.index_cast %get3A_184 : i32 to index
    %get3A_187 = arith.index_cast %get3A_185 : i32 to index
    %get3A_188 = arith.constant 64 : index
    %get3A_189 = tpu.vector_load %arg5[%get3A_186, %get3A_187, %get3A_188] {strides = array<i32>} : memref<2x2x128xi32, #tpu.memory_space<vmem>>, vector<16xi32>,
    %shift_right_arithmetic3A_190 = arith.constant 1 : i32
    %shift_right_arithmetic3A_191 = vector.broadcast %shift_right_arithmetic3A_190 : i32 to vector<16xi32>
    %shift_right_arithmetic3A_192 = arith.shrsi %get3A_189, %shift_right_arithmetic3A_191 : vector<16xi32>
    %swap3A_193 = arith.constant 0 : i32
    %swap3A_194 = arith.constant 1 : i32
    %swap3A_195 = arith.index_cast %swap3A_193 : i32 to index
    %swap3A_196 = arith.index_cast %swap3A_194 : i32 to index
    %swap3A_197 = arith.constant 64 : index
    %swap3A_198 = tpu.vector_load %arg6[%swap3A_195, %swap3A_196, %swap3A_197] {strides = array<i32>} : memref<2x2x128xi32, #tpu.memory_space<vmem>>, vector<16xi32>,
    tpu.vector_store %arg6[%swap3A_195, %swap3A_196, %swap3A_197], %shift_right_arithmetic3A_192 {strides = array<i32>} : memref<2x2x128xi32, #tpu.memory_space<vmem>>, vector<16xi32>,
    %get3A_199 = arith.constant 0 : i32
    %get3A_200 = arith.constant 1 : i32
    %get3A_201 = arith.index_cast %get3A_199 : i32 to index
    %get3A_202 = arith.index_cast %get3A_200 : i32 to index
    %get3A_203 = arith.constant 80 : index
    %get3A_204 = tpu.vector_load %arg5[%get3A_201, %get3A_202, %get3A_203] {strides = array<i32>} : memref<2x2x128xi32, #tpu.memory_space<vmem>>, vector<16xi32>,
    %shift_right_arithmetic3A_205 = arith.constant 1 : i32
    %shift_right_arithmetic3A_206 = vector.broadcast %shift_right_arithmetic3A_205 : i32 to vector<16xi32>
    %shift_right_arithmetic3A_207 = arith.shrsi %get3A_204, %shift_right_arithmetic3A_206 : vector<16xi32>
    %swap3A_208 = arith.constant 0 : i32
    %swap3A_209 = arith.constant 1 : i32
    %swap3A_210 = arith.index_cast %swap3A_208 : i32 to index
    %swap3A_211 = arith.index_cast %swap3A_209 : i32 to index
    %swap3A_212 = arith.constant 80 : index
    %swap3A_213 = tpu.vector_load %arg6[%swap3A_210, %swap3A_211, %swap3A_212] {strides = array<i32>} : memref<2x2x128xi32, #tpu.memory_space<vmem>>, vector<16xi32>,
    tpu.vector_store %arg6[%swap3A_210, %swap3A_211, %swap3A_212], %shift_right_arithmetic3A_207 {strides = array<i32>} : memref<2x2x128xi32, #tpu.memory_space<vmem>>, vector<16xi32>,
    %get3A_214 = arith.constant 0 : i32
    %get3A_215 = arith.constant 1 : i32
    %get3A_216 = arith.index_cast %get3A_214 : i32 to index
    %get3A_217 = arith.index_cast %get3A_215 : i32 to index
    %get3A_218 = arith.constant 96 : index
    %get3A_219 = tpu.vector_load %arg5[%get3A_216, %get3A_217, %get3A_218] {strides = array<i32>} : memref<2x2x128xi32, #tpu.memory_space<vmem>>, vector<16xi32>,
    %shift_right_arithmetic3A_220 = arith.constant 1 : i32
    %shift_right_arithmetic3A_221 = vector.broadcast %shift_right_arithmetic3A_220 : i32 to vector<16xi32>
    %shift_right_arithmetic3A_222 = arith.shrsi %get3A_219, %shift_right_arithmetic3A_221 : vector<16xi32>
    %swap3A_223 = arith.constant 0 : i32
    %swap3A_224 = arith.constant 1 : i32
    %swap3A_225 = arith.index_cast %swap3A_223 : i32 to index
    %swap3A_226 = arith.index_cast %swap3A_224 : i32 to index
    %swap3A_227 = arith.constant 96 : index
    %swap3A_228 = tpu.vector_load %arg6[%swap3A_225, %swap3A_226, %swap3A_227] {strides = array<i32>} : memref<2x2x128xi32, #tpu.memory_space<vmem>>, vector<16xi32>,
    tpu.vector_store %arg6[%swap3A_225, %swap3A_226, %swap3A_227], %shift_right_arithmetic3A_222 {strides = array<i32>} : memref<2x2x128xi32, #tpu.memory_space<vmem>>, vector<16xi32>,
    %get3A_229 = arith.constant 0 : i32
    %get3A_230 = arith.constant 1 : i32
    %get3A_231 = arith.index_cast %get3A_229 : i32 to index
    %get3A_232 = arith.index_cast %get3A_230 : i32 to index
    %get3A_233 = arith.constant 112 : index
    %get3A_234 = tpu.vector_load %arg5[%get3A_231, %get3A_232, %get3A_233] {strides = array<i32>} : memref<2x2x128xi32, #tpu.memory_space<vmem>>, vector<16xi32>,
    %shift_right_arithmetic3A_235 = arith.constant 1 : i32
    %shift_right_arithmetic3A_236 = vector.broadcast %shift_right_arithmetic3A_235 : i32 to vector<16xi32>
    %shift_right_arithmetic3A_237 = arith.shrsi %get3A_234, %shift_right_arithmetic3A_236 : vector<16xi32>
    %swap3A_238 = arith.constant 0 : i32
    %swap3A_239 = arith.constant 1 : i32
    %swap3A_240 = arith.index_cast %swap3A_238 : i32 to index
    %swap3A_241 = arith.index_cast %swap3A_239 : i32 to index
    %swap3A_242 = arith.constant 112 : index
    %swap3A_243 = tpu.vector_load %arg6[%swap3A_240, %swap3A_241, %swap3A_242] {strides = array<i32>} : memref<2x2x128xi32, #tpu.memory_space<vmem>>, vector<16xi32>,
    tpu.vector_store %arg6[%swap3A_240, %swap3A_241, %swap3A_242], %shift_right_arithmetic3A_237 {strides = array<i32>} : memref<2x2x128xi32, #tpu.memory_space<vmem>>, vector<16xi32>,
    %dma_start3A = arith.constant 0 : i32
    %dma_start3A_244 = arith.constant 0 : i32
    %dma_start3A_245 = arith.constant 0 : i32
    %dma_start3A_246 = arith.constant 0 : i32
    %dma_start3A_247 = tpu.memref_slice %arg7[%dma_start3A_245, %dma_start3A_246] : memref<256x128xf32, #tpu.memory_space<vmem>> -> memref<128x128xf32, #tpu.memory_space<vmem>>
    %dma_start3A_248 = arith.constant 0 : i32
    %dma_start3A_249 = tpu.memref_slice %arg6[%dma_start3A, %dma_start3A_244, %dma_start3A_248] : memref<2x2x128xi32, #tpu.memory_space<vmem>> -> memref<1x1x128xi32, #tpu.memory_space<vmem>>
    %dma_start3A_250 = tpu.memref_squeeze %dma_start3A_249 : memref<1x1x128xi32, #tpu.memory_space<vmem>> -> memref<128xi32, #tpu.memory_space<vmem>>
    %dma_start3A_251 = arith.constant 0 : i32
    %dma_start3A_252 = arith.constant 0 : i32
    %dma_start3A_253 = tpu.memref_slice %arg3[%dma_start3A_251, %dma_start3A_252] : memref<500000x128xf32, #tpu.memory_space<hbm>> -> memref<500000x128xf32, #tpu.memory_space<hbm>>
    tpu.enqueue_indirect_dma source(%dma_start3A_253 : memref<500000x128xf32, #tpu.memory_space<hbm>>) target(%dma_start3A_247 : memref<128x128xf32, #tpu.memory_space<vmem>>) offsets(%dma_start3A_250 : memref<128xi32, #tpu.memory_space<vmem>>) semaphore(%arg10 : memref<!tpu.dma_semaphore, #tpu.memory_space<semaphore_mem>>)
    %dma_start3A_254 = arith.constant 0 : i32
    %dma_start3A_255 = arith.constant 1 : i32
    %dma_start3A_256 = arith.constant 128 : i32
    %dma_start3A_257 = arith.constant 0 : i32
    %dma_start3A_258 = tpu.memref_slice %arg7[%dma_start3A_256, %dma_start3A_257] : memref<256x128xf32, #tpu.memory_space<vmem>> -> memref<128x128xf32, #tpu.memory_space<vmem>>
    %dma_start3A_259 = arith.constant 0 : i32
    %dma_start3A_260 = tpu.memref_slice %arg6[%dma_start3A_254, %dma_start3A_255, %dma_start3A_259] : memref<2x2x128xi32, #tpu.memory_space<vmem>> -> memref<1x1x128xi32, #tpu.memory_space<vmem>>
    %dma_start3A_261 = tpu.memref_squeeze %dma_start3A_260 : memref<1x1x128xi32, #tpu.memory_space<vmem>> -> memref<128xi32, #tpu.memory_space<vmem>>
    %dma_start3A_262 = arith.constant 0 : i32
    %dma_start3A_263 = arith.constant 0 : i32
    %dma_start3A_264 = tpu.memref_slice %arg3[%dma_start3A_262, %dma_start3A_263] : memref<500000x128xf32, #tpu.memory_space<hbm>> -> memref<500000x128xf32, #tpu.memory_space<hbm>>
    tpu.enqueue_indirect_dma source(%dma_start3A_264 : memref<500000x128xf32, #tpu.memory_space<hbm>>) target(%dma_start3A_258 : memref<128x128xf32, #tpu.memory_space<vmem>>) offsets(%dma_start3A_261 : memref<128xi32, #tpu.memory_space<vmem>>) semaphore(%arg10 : memref<!tpu.dma_semaphore, #tpu.memory_space<semaphore_mem>>)
    %scan3A = arith.constant 0 : i32
    %scan3A_265 = arith.constant 0 : i32
    %scan3A_266 = arith.constant 50 : i32
    %scan3A_267 = arith.addi %scan3A_265, %scan3A_266 : i32
    %scan3A_268 = arith.constant 1 : i32
    %scan3A_269 = scf.for %scan3A_271 = %scan3A_265 to %scan3A_267 step %scan3A_268 iter_args(%scan3A_272 = %scan3A) -> (i32)  : i32 {
      %mul3A_273 = arith.constant 2 : i32
      %mul3A_274 = arith.muli %mul3A_273, %scan3A_271 : i32
      %add3A_275 = arith.constant 0 : i32
      %add3A_276 = arith.addi %mul3A_274, %add3A_275 : i32
      %dma_wait3A = arith.constant 0 : i32
      %dma_wait3A_277 = arith.constant 0 : i32
      %dma_wait3A_278 = arith.constant 0 : i32
      %dma_wait3A_279 = arith.constant 0 : i32
      %dma_wait3A_280 = tpu.memref_slice %arg7[%dma_wait3A_278, %dma_wait3A_279] : memref<256x128xf32, #tpu.memory_space<vmem>> -> memref<128x128xf32, #tpu.memory_space<vmem>>
      %dma_wait3A_281 = arith.constant 0 : i32
      %dma_wait3A_282 = tpu.memref_slice %arg6[%dma_wait3A, %dma_wait3A_277, %dma_wait3A_281] : memref<2x2x128xi32, #tpu.memory_space<vmem>> -> memref<1x1x128xi32, #tpu.memory_space<vmem>>
      %dma_wait3A_283 = tpu.memref_squeeze %dma_wait3A_282 : memref<1x1x128xi32, #tpu.memory_space<vmem>> -> memref<128xi32, #tpu.memory_space<vmem>>
      %dma_wait3A_284 = arith.constant 0 : i32
      %dma_wait3A_285 = arith.constant 0 : i32
      %dma_wait3A_286 = tpu.memref_slice %arg3[%dma_wait3A_284, %dma_wait3A_285] : memref<500000x128xf32, #tpu.memory_space<hbm>> -> memref<500000x128xf32, #tpu.memory_space<hbm>>
      tpu.wait_indirect_dma semaphore(%arg10 : memref<!tpu.dma_semaphore, #tpu.memory_space<semaphore_mem>>) src(%dma_wait3A_286 : memref<500000x128xf32, #tpu.memory_space<hbm>>) dst(%dma_wait3A_280 : memref<128x128xf32, #tpu.memory_space<vmem>>)
      %dma_wait3A_287 = arith.constant 0 : i32
      %dma_wait3A_288 = arith.constant 1 : i32
      %dma_wait3A_289 = arith.constant 128 : i32
      %dma_wait3A_290 = arith.constant 0 : i32
      %dma_wait3A_291 = tpu.memref_slice %arg7[%dma_wait3A_289, %dma_wait3A_290] : memref<256x128xf32, #tpu.memory_space<vmem>> -> memref<128x128xf32, #tpu.memory_space<vmem>>
      %dma_wait3A_292 = arith.constant 0 : i32
      %dma_wait3A_293 = tpu.memref_slice %arg6[%dma_wait3A_287, %dma_wait3A_288, %dma_wait3A_292] : memref<2x2x128xi32, #tpu.memory_space<vmem>> -> memref<1x1x128xi32, #tpu.memory_space<vmem>>
      %dma_wait3A_294 = tpu.memref_squeeze %dma_wait3A_293 : memref<1x1x128xi32, #tpu.memory_space<vmem>> -> memref<128xi32, #tpu.memory_space<vmem>>
      %dma_wait3A_295 = arith.constant 0 : i32
      %dma_wait3A_296 = arith.constant 0 : i32
      %dma_wait3A_297 = tpu.memref_slice %arg3[%dma_wait3A_295, %dma_wait3A_296] : memref<500000x128xf32, #tpu.memory_space<hbm>> -> memref<500000x128xf32, #tpu.memory_space<hbm>>
      tpu.wait_indirect_dma semaphore(%arg10 : memref<!tpu.dma_semaphore, #tpu.memory_space<semaphore_mem>>) src(%dma_wait3A_297 : memref<500000x128xf32, #tpu.memory_space<hbm>>) dst(%dma_wait3A_291 : memref<128x128xf32, #tpu.memory_space<vmem>>)
      %add3A_298 = arith.constant 1 : i32
      %add3A_299 = arith.addi %add3A_276, %add3A_298 : i32
      %lt3A = arith.constant 100 : i32
      %lt3A_300 = arith.cmpi slt, %add3A_299, %lt3A : i32
      %convert_element_type3A = arith.extui %lt3A_300 : i1 to i32
      %cond3A = arith.constant 0 : i32
      %cond3A_301 = arith.cmpi ne, %convert_element_type3A, %cond3A : i32
      scf.if %cond3A_301 {
        %add3A_347 = arith.constant 1 : i32
        %add3A_348 = arith.addi %add3A_276, %add3A_347 : i32
        %mul3A_349 = arith.constant 2 : i32
        %mul3A_350 = arith.muli %add3A_348, %mul3A_349 : i32
        %add3A_351 = arith.addi %mul3A_2, %mul3A_350 : i32
        %run_scoped3A_352 = arith.constant 1 : i32
        "tpu.region"() ({
          %run_scoped3A_615 = tpu.sem_alloc : memref<!tpu.dma_semaphore, #tpu.memory_space<semaphore_mem>>
          %dma_start3A_616 = arith.constant 0 : i32
          %dma_start3A_617 = arith.constant 0 : i32
          %dma_start3A_618 = tpu.memref_slice %arg5[%run_scoped3A_352, %dma_start3A_616, %dma_start3A_617] : memref<2x2x128xi32, #tpu.memory_space<vmem>> -> memref<1x2x128xi32, #tpu.memory_space<vmem>>
          %dma_start3A_619 = tpu.memref_squeeze %dma_start3A_618 : memref<1x2x128xi32, #tpu.memory_space<vmem>> -> memref<2x128xi32, #tpu.memory_space<vmem>>
          %dma_start3A_620 = arith.constant 0 : i32
          %dma_start3A_621 = tpu.memref_slice %arg2[%add3A_351, %dma_start3A_620] : memref<6400x128xi32, #tpu.memory_space<hbm>> -> memref<2x128xi32, #tpu.memory_space<hbm>>
          %dma_start3A_622 = arith.constant 0 : i32
          %dma_start3A_623 = arith.constant 0 : i32
          %dma_start3A_624 = tpu.memref_slice %arg5[%run_scoped3A_352, %dma_start3A_622, %dma_start3A_623] : memref<2x2x128xi32, #tpu.memory_space<vmem>> -> memref<1x2x128xi32, #tpu.memory_space<vmem>>
          %dma_start3A_625 = tpu.memref_squeeze %dma_start3A_624 : memref<1x2x128xi32, #tpu.memory_space<vmem>> -> memref<2x128xi32, #tpu.memory_space<vmem>>
          %dma_start3A_626 = arith.constant 0 : i32
          %dma_start3A_627 = tpu.memref_slice %arg2[%add3A_351, %dma_start3A_626] : memref<6400x128xi32, #tpu.memory_space<hbm>> -> memref<2x128xi32, #tpu.memory_space<hbm>>
          tpu.enqueue_dma source(%dma_start3A_627 : memref<2x128xi32, #tpu.memory_space<hbm>>) target(%dma_start3A_625 : memref<2x128xi32, #tpu.memory_space<vmem>>) target_semaphore(%run_scoped3A_615 : memref<!tpu.dma_semaphore, #tpu.memory_space<semaphore_mem>>)
          %dma_wait3A_628 = arith.constant 0 : i32
          %dma_wait3A_629 = arith.constant 0 : i32
          %dma_wait3A_630 = tpu.memref_slice %arg5[%run_scoped3A_352, %dma_wait3A_628, %dma_wait3A_629] : memref<2x2x128xi32, #tpu.memory_space<vmem>> -> memref<1x2x128xi32, #tpu.memory_space<vmem>>
          %dma_wait3A_631 = tpu.memref_squeeze %dma_wait3A_630 : memref<1x2x128xi32, #tpu.memory_space<vmem>> -> memref<2x128xi32, #tpu.memory_space<vmem>>
          %dma_wait3A_632 = arith.constant 0 : i32
          %dma_wait3A_633 = tpu.memref_slice %arg2[%add3A_351, %dma_wait3A_632] : memref<6400x128xi32, #tpu.memory_space<hbm>> -> memref<2x128xi32, #tpu.memory_space<hbm>>
          %dma_wait3A_634 = arith.constant 0 : i32
          %dma_wait3A_635 = arith.constant 0 : i32
          %dma_wait3A_636 = tpu.memref_slice %arg5[%run_scoped3A_352, %dma_wait3A_634, %dma_wait3A_635] : memref<2x2x128xi32, #tpu.memory_space<vmem>> -> memref<1x2x128xi32, #tpu.memory_space<vmem>>
          %dma_wait3A_637 = tpu.memref_squeeze %dma_wait3A_636 : memref<1x2x128xi32, #tpu.memory_space<vmem>> -> memref<2x128xi32, #tpu.memory_space<vmem>>
          %dma_wait3A_638 = arith.constant 0 : i32
          %dma_wait3A_639 = tpu.memref_slice %arg2[%add3A_351, %dma_wait3A_638] : memref<6400x128xi32, #tpu.memory_space<hbm>> -> memref<2x128xi32, #tpu.memory_space<hbm>>
          tpu.wait_dma2 semaphore(%run_scoped3A_615 : memref<!tpu.dma_semaphore, #tpu.memory_space<semaphore_mem>>) src(%dma_wait3A_639 : memref<2x128xi32, #tpu.memory_space<hbm>>) dst(%dma_wait3A_637 : memref<2x128xi32, #tpu.memory_space<vmem>>)
          tpu.yield
        }) : () -> ()
        %get3A_353 = arith.constant 1 : i32
        %get3A_354 = arith.constant 0 : i32
        %get3A_355 = arith.index_cast %get3A_353 : i32 to index
        %get3A_356 = arith.index_cast %get3A_354 : i32 to index
        %get3A_357 = arith.constant 0 : index
        %get3A_358 = tpu.vector_load %arg5[%get3A_355, %get3A_356, %get3A_357] {strides = array<i32>} : memref<2x2x128xi32, #tpu.memory_space<vmem>>, vector<16xi32>,
        %shift_right_arithmetic3A_359 = arith.constant 1 : i32
        %shift_right_arithmetic3A_360 = vector.broadcast %shift_right_arithmetic3A_359 : i32 to vector<16xi32>
        %shift_right_arithmetic3A_361 = arith.shrsi %get3A_358, %shift_right_arithmetic3A_360 : vector<16xi32>
        %swap3A_362 = arith.constant 1 : i32
        %swap3A_363 = arith.constant 0 : i32
        %swap3A_364 = arith.index_cast %swap3A_362 : i32 to index
        %swap3A_365 = arith.index_cast %swap3A_363 : i32 to index
        %swap3A_366 = arith.constant 0 : index
        %swap3A_367 = tpu.vector_load %arg6[%swap3A_364, %swap3A_365, %swap3A_366] {strides = array<i32>} : memref<2x2x128xi32, #tpu.memory_space<vmem>>, vector<16xi32>,
        tpu.vector_store %arg6[%swap3A_364, %swap3A_365, %swap3A_366], %shift_right_arithmetic3A_361 {strides = array<i32>} : memref<2x2x128xi32, #tpu.memory_space<vmem>>, vector<16xi32>,
        %get3A_368 = arith.constant 1 : i32
        %get3A_369 = arith.constant 0 : i32
        %get3A_370 = arith.index_cast %get3A_368 : i32 to index
        %get3A_371 = arith.index_cast %get3A_369 : i32 to index
        %get3A_372 = arith.constant 16 : index
        %get3A_373 = tpu.vector_load %arg5[%get3A_370, %get3A_371, %get3A_372] {strides = array<i32>} : memref<2x2x128xi32, #tpu.memory_space<vmem>>, vector<16xi32>,
        %shift_right_arithmetic3A_374 = arith.constant 1 : i32
        %shift_right_arithmetic3A_375 = vector.broadcast %shift_right_arithmetic3A_374 : i32 to vector<16xi32>
        %shift_right_arithmetic3A_376 = arith.shrsi %get3A_373, %shift_right_arithmetic3A_375 : vector<16xi32>
        %swap3A_377 = arith.constant 1 : i32
        %swap3A_378 = arith.constant 0 : i32
        %swap3A_379 = arith.index_cast %swap3A_377 : i32 to index
        %swap3A_380 = arith.index_cast %swap3A_378 : i32 to index
        %swap3A_381 = arith.constant 16 : index
        %swap3A_382 = tpu.vector_load %arg6[%swap3A_379, %swap3A_380, %swap3A_381] {strides = array<i32>} : memref<2x2x128xi32, #tpu.memory_space<vmem>>, vector<16xi32>,
        tpu.vector_store %arg6[%swap3A_379, %swap3A_380, %swap3A_381], %shift_right_arithmetic3A_376 {strides = array<i32>} : memref<2x2x128xi32, #tpu.memory_space<vmem>>, vector<16xi32>,
        %get3A_383 = arith.constant 1 : i32
        %get3A_384 = arith.constant 0 : i32
        %get3A_385 = arith.index_cast %get3A_383 : i32 to index
        %get3A_386 = arith.index_cast %get3A_384 : i32 to index
        %get3A_387 = arith.constant 32 : index
        %get3A_388 = tpu.vector_load %arg5[%get3A_385, %get3A_386, %get3A_387] {strides = array<i32>} : memref<2x2x128xi32, #tpu.memory_space<vmem>>, vector<16xi32>,
        %shift_right_arithmetic3A_389 = arith.constant 1 : i32
        %shift_right_arithmetic3A_390 = vector.broadcast %shift_right_arithmetic3A_389 : i32 to vector<16xi32>
        %shift_right_arithmetic3A_391 = arith.shrsi %get3A_388, %shift_right_arithmetic3A_390 : vector<16xi32>
        %swap3A_392 = arith.constant 1 : i32
        %swap3A_393 = arith.constant 0 : i32
        %swap3A_394 = arith.index_cast %swap3A_392 : i32 to index
        %swap3A_395 = arith.index_cast %swap3A_393 : i32 to index
        %swap3A_396 = arith.constant 32 : index
        %swap3A_397 = tpu.vector_load %arg6[%swap3A_394, %swap3A_395, %swap3A_396] {strides = array<i32>} : memref<2x2x128xi32, #tpu.memory_space<vmem>>, vector<16xi32>,
        tpu.vector_store %arg6[%swap3A_394, %swap3A_395, %swap3A_396], %shift_right_arithmetic3A_391 {strides = array<i32>} : memref<2x2x128xi32, #tpu.memory_space<vmem>>, vector<16xi32>,
        %get3A_398 = arith.constant 1 : i32
        %get3A_399 = arith.constant 0 : i32
        %get3A_400 = arith.index_cast %get3A_398 : i32 to index
        %get3A_401 = arith.index_cast %get3A_399 : i32 to index
        %get3A_402 = arith.constant 48 : index
        %get3A_403 = tpu.vector_load %arg5[%get3A_400, %get3A_401, %get3A_402] {strides = array<i32>} : memref<2x2x128xi32, #tpu.memory_space<vmem>>, vector<16xi32>,
        %shift_right_arithmetic3A_404 = arith.constant 1 : i32
        %shift_right_arithmetic3A_405 = vector.broadcast %shift_right_arithmetic3A_404 : i32 to vector<16xi32>
        %shift_right_arithmetic3A_406 = arith.shrsi %get3A_403, %shift_right_arithmetic3A_405 : vector<16xi32>
        %swap3A_407 = arith.constant 1 : i32
        %swap3A_408 = arith.constant 0 : i32
        %swap3A_409 = arith.index_cast %swap3A_407 : i32 to index
        %swap3A_410 = arith.index_cast %swap3A_408 : i32 to index
        %swap3A_411 = arith.constant 48 : index
        %swap3A_412 = tpu.vector_load %arg6[%swap3A_409, %swap3A_410, %swap3A_411] {strides = array<i32>} : memref<2x2x128xi32, #tpu.memory_space<vmem>>, vector<16xi32>,
        tpu.vector_store %arg6[%swap3A_409, %swap3A_410, %swap3A_411], %shift_right_arithmetic3A_406 {strides = array<i32>} : memref<2x2x128xi32, #tpu.memory_space<vmem>>, vector<16xi32>,
        %get3A_413 = arith.constant 1 : i32
        %get3A_414 = arith.constant 0 : i32
        %get3A_415 = arith.index_cast %get3A_413 : i32 to index
        %get3A_416 = arith.index_cast %get3A_414 : i32 to index
        %get3A_417 = arith.constant 64 : index
        %get3A_418 = tpu.vector_load %arg5[%get3A_415, %get3A_416, %get3A_417] {strides = array<i32>} : memref<2x2x128xi32, #tpu.memory_space<vmem>>, vector<16xi32>,
        %shift_right_arithmetic3A_419 = arith.constant 1 : i32
        %shift_right_arithmetic3A_420 = vector.broadcast %shift_right_arithmetic3A_419 : i32 to vector<16xi32>
        %shift_right_arithmetic3A_421 = arith.shrsi %get3A_418, %shift_right_arithmetic3A_420 : vector<16xi32>
        %swap3A_422 = arith.constant 1 : i32
        %swap3A_423 = arith.constant 0 : i32
        %swap3A_424 = arith.index_cast %swap3A_422 : i32 to index
        %swap3A_425 = arith.index_cast %swap3A_423 : i32 to index
        %swap3A_426 = arith.constant 64 : index
        %swap3A_427 = tpu.vector_load %arg6[%swap3A_424, %swap3A_425, %swap3A_426] {strides = array<i32>} : memref<2x2x128xi32, #tpu.memory_space<vmem>>, vector<16xi32>,
        tpu.vector_store %arg6[%swap3A_424, %swap3A_425, %swap3A_426], %shift_right_arithmetic3A_421 {strides = array<i32>} : memref<2x2x128xi32, #tpu.memory_space<vmem>>, vector<16xi32>,
        %get3A_428 = arith.constant 1 : i32
        %get3A_429 = arith.constant 0 : i32
        %get3A_430 = arith.index_cast %get3A_428 : i32 to index
        %get3A_431 = arith.index_cast %get3A_429 : i32 to index
        %get3A_432 = arith.constant 80 : index
        %get3A_433 = tpu.vector_load %arg5[%get3A_430, %get3A_431, %get3A_432] {strides = array<i32>} : memref<2x2x128xi32, #tpu.memory_space<vmem>>, vector<16xi32>,
        %shift_right_arithmetic3A_434 = arith.constant 1 : i32
        %shift_right_arithmetic3A_435 = vector.broadcast %shift_right_arithmetic3A_434 : i32 to vector<16xi32>
        %shift_right_arithmetic3A_436 = arith.shrsi %get3A_433, %shift_right_arithmetic3A_435 : vector<16xi32>
        %swap3A_437 = arith.constant 1 : i32
        %swap3A_438 = arith.constant 0 : i32
        %swap3A_439 = arith.index_cast %swap3A_437 : i32 to index
        %swap3A_440 = arith.index_cast %swap3A_438 : i32 to index
        %swap3A_441 = arith.constant 80 : index
        %swap3A_442 = tpu.vector_load %arg6[%swap3A_439, %swap3A_440, %swap3A_441] {strides = array<i32>} : memref<2x2x128xi32, #tpu.memory_space<vmem>>, vector<16xi32>,
        tpu.vector_store %arg6[%swap3A_439, %swap3A_440, %swap3A_441], %shift_right_arithmetic3A_436 {strides = array<i32>} : memref<2x2x128xi32, #tpu.memory_space<vmem>>, vector<16xi32>,
        %get3A_443 = arith.constant 1 : i32
        %get3A_444 = arith.constant 0 : i32
        %get3A_445 = arith.index_cast %get3A_443 : i32 to index
        %get3A_446 = arith.index_cast %get3A_444 : i32 to index
        %get3A_447 = arith.constant 96 : index
        %get3A_448 = tpu.vector_load %arg5[%get3A_445, %get3A_446, %get3A_447] {strides = array<i32>} : memref<2x2x128xi32, #tpu.memory_space<vmem>>, vector<16xi32>,
        %shift_right_arithmetic3A_449 = arith.constant 1 : i32
        %shift_right_arithmetic3A_450 = vector.broadcast %shift_right_arithmetic3A_449 : i32 to vector<16xi32>
        %shift_right_arithmetic3A_451 = arith.shrsi %get3A_448, %shift_right_arithmetic3A_450 : vector<16xi32>
        %swap3A_452 = arith.constant 1 : i32
        %swap3A_453 = arith.constant 0 : i32
        %swap3A_454 = arith.index_cast %swap3A_452 : i32 to index
        %swap3A_455 = arith.index_cast %swap3A_453 : i32 to index
        %swap3A_456 = arith.constant 96 : index
        %swap3A_457 = tpu.vector_load %arg6[%swap3A_454, %swap3A_455, %swap3A_456] {strides = array<i32>} : memref<2x2x128xi32, #tpu.memory_space<vmem>>, vector<16xi32>,
        tpu.vector_store %arg6[%swap3A_454, %swap3A_455, %swap3A_456], %shift_right_arithmetic3A_451 {strides = array<i32>} : memref<2x2x128xi32, #tpu.memory_space<vmem>>, vector<16xi32>,
        %get3A_458 = arith.constant 1 : i32
        %get3A_459 = arith.constant 0 : i32
        %get3A_460 = arith.index_cast %get3A_458 : i32 to index
        %get3A_461 = arith.index_cast %get3A_459 : i32 to index
        %get3A_462 = arith.constant 112 : index
        %get3A_463 = tpu.vector_load %arg5[%get3A_460, %get3A_461, %get3A_462] {strides = array<i32>} : memref<2x2x128xi32, #tpu.memory_space<vmem>>, vector<16xi32>,
        %shift_right_arithmetic3A_464 = arith.constant 1 : i32
        %shift_right_arithmetic3A_465 = vector.broadcast %shift_right_arithmetic3A_464 : i32 to vector<16xi32>
        %shift_right_arithmetic3A_466 = arith.shrsi %get3A_463, %shift_right_arithmetic3A_465 : vector<16xi32>
        %swap3A_467 = arith.constant 1 : i32
        %swap3A_468 = arith.constant 0 : i32
        %swap3A_469 = arith.index_cast %swap3A_467 : i32 to index
        %swap3A_470 = arith.index_cast %swap3A_468 : i32 to index
        %swap3A_471 = arith.constant 112 : index
        %swap3A_472 = tpu.vector_load %arg6[%swap3A_469, %swap3A_470, %swap3A_471] {strides = array<i32>} : memref<2x2x128xi32, #tpu.memory_space<vmem>>, vector<16xi32>,
        tpu.vector_store %arg6[%swap3A_469, %swap3A_470, %swap3A_471], %shift_right_arithmetic3A_466 {strides = array<i32>} : memref<2x2x128xi32, #tpu.memory_space<vmem>>, vector<16xi32>,
        %get3A_473 = arith.constant 1 : i32
        %get3A_474 = arith.constant 1 : i32
        %get3A_475 = arith.index_cast %get3A_473 : i32 to index
        %get3A_476 = arith.index_cast %get3A_474 : i32 to index
        %get3A_477 = arith.constant 0 : index
        %get3A_478 = tpu.vector_load %arg5[%get3A_475, %get3A_476, %get3A_477] {strides = array<i32>} : memref<2x2x128xi32, #tpu.memory_space<vmem>>, vector<16xi32>,
        %shift_right_arithmetic3A_479 = arith.constant 1 : i32
        %shift_right_arithmetic3A_480 = vector.broadcast %shift_right_arithmetic3A_479 : i32 to vector<16xi32>
        %shift_right_arithmetic3A_481 = arith.shrsi %get3A_478, %shift_right_arithmetic3A_480 : vector<16xi32>
        %swap3A_482 = arith.constant 1 : i32
        %swap3A_483 = arith.constant 1 : i32
        %swap3A_484 = arith.index_cast %swap3A_482 : i32 to index
        %swap3A_485 = arith.index_cast %swap3A_483 : i32 to index
        %swap3A_486 = arith.constant 0 : index
        %swap3A_487 = tpu.vector_load %arg6[%swap3A_484, %swap3A_485, %swap3A_486] {strides = array<i32>} : memref<2x2x128xi32, #tpu.memory_space<vmem>>, vector<16xi32>,
        tpu.vector_store %arg6[%swap3A_484, %swap3A_485, %swap3A_486], %shift_right_arithmetic3A_481 {strides = array<i32>} : memref<2x2x128xi32, #tpu.memory_space<vmem>>, vector<16xi32>,
        %get3A_488 = arith.constant 1 : i32
        %get3A_489 = arith.constant 1 : i32
        %get3A_490 = arith.index_cast %get3A_488 : i32 to index
        %get3A_491 = arith.index_cast %get3A_489 : i32 to index
        %get3A_492 = arith.constant 16 : index
        %get3A_493 = tpu.vector_load %arg5[%get3A_490, %get3A_491, %get3A_492] {strides = array<i32>} : memref<2x2x128xi32, #tpu.memory_space<vmem>>, vector<16xi32>,
        %shift_right_arithmetic3A_494 = arith.constant 1 : i32
        %shift_right_arithmetic3A_495 = vector.broadcast %shift_right_arithmetic3A_494 : i32 to vector<16xi32>
        %shift_right_arithmetic3A_496 = arith.shrsi %get3A_493, %shift_right_arithmetic3A_495 : vector<16xi32>
        %swap3A_497 = arith.constant 1 : i32
        %swap3A_498 = arith.constant 1 : i32
        %swap3A_499 = arith.index_cast %swap3A_497 : i32 to index
        %swap3A_500 = arith.index_cast %swap3A_498 : i32 to index
        %swap3A_501 = arith.constant 16 : index
        %swap3A_502 = tpu.vector_load %arg6[%swap3A_499, %swap3A_500, %swap3A_501] {strides = array<i32>} : memref<2x2x128xi32, #tpu.memory_space<vmem>>, vector<16xi32>,
        tpu.vector_store %arg6[%swap3A_499, %swap3A_500, %swap3A_501], %shift_right_arithmetic3A_496 {strides = array<i32>} : memref<2x2x128xi32, #tpu.memory_space<vmem>>, vector<16xi32>,
        %get3A_503 = arith.constant 1 : i32
        %get3A_504 = arith.constant 1 : i32
        %get3A_505 = arith.index_cast %get3A_503 : i32 to index
        %get3A_506 = arith.index_cast %get3A_504 : i32 to index
        %get3A_507 = arith.constant 32 : index
        %get3A_508 = tpu.vector_load %arg5[%get3A_505, %get3A_506, %get3A_507] {strides = array<i32>} : memref<2x2x128xi32, #tpu.memory_space<vmem>>, vector<16xi32>,
        %shift_right_arithmetic3A_509 = arith.constant 1 : i32
        %shift_right_arithmetic3A_510 = vector.broadcast %shift_right_arithmetic3A_509 : i32 to vector<16xi32>
        %shift_right_arithmetic3A_511 = arith.shrsi %get3A_508, %shift_right_arithmetic3A_510 : vector<16xi32>
        %swap3A_512 = arith.constant 1 : i32
        %swap3A_513 = arith.constant 1 : i32
        %swap3A_514 = arith.index_cast %swap3A_512 : i32 to index
        %swap3A_515 = arith.index_cast %swap3A_513 : i32 to index
        %swap3A_516 = arith.constant 32 : index
        %swap3A_517 = tpu.vector_load %arg6[%swap3A_514, %swap3A_515, %swap3A_516] {strides = array<i32>} : memref<2x2x128xi32, #tpu.memory_space<vmem>>, vector<16xi32>,
        tpu.vector_store %arg6[%swap3A_514, %swap3A_515, %swap3A_516], %shift_right_arithmetic3A_511 {strides = array<i32>} : memref<2x2x128xi32, #tpu.memory_space<vmem>>, vector<16xi32>,
        %get3A_518 = arith.constant 1 : i32
        %get3A_519 = arith.constant 1 : i32
        %get3A_520 = arith.index_cast %get3A_518 : i32 to index
        %get3A_521 = arith.index_cast %get3A_519 : i32 to index
        %get3A_522 = arith.constant 48 : index
        %get3A_523 = tpu.vector_load %arg5[%get3A_520, %get3A_521, %get3A_522] {strides = array<i32>} : memref<2x2x128xi32, #tpu.memory_space<vmem>>, vector<16xi32>,
        %shift_right_arithmetic3A_524 = arith.constant 1 : i32
        %shift_right_arithmetic3A_525 = vector.broadcast %shift_right_arithmetic3A_524 : i32 to vector<16xi32>
        %shift_right_arithmetic3A_526 = arith.shrsi %get3A_523, %shift_right_arithmetic3A_525 : vector<16xi32>
        %swap3A_527 = arith.constant 1 : i32
        %swap3A_528 = arith.constant 1 : i32
        %swap3A_529 = arith.index_cast %swap3A_527 : i32 to index
        %swap3A_530 = arith.index_cast %swap3A_528 : i32 to index
        %swap3A_531 = arith.constant 48 : index
        %swap3A_532 = tpu.vector_load %arg6[%swap3A_529, %swap3A_530, %swap3A_531] {strides = array<i32>} : memref<2x2x128xi32, #tpu.memory_space<vmem>>, vector<16xi32>,
        tpu.vector_store %arg6[%swap3A_529, %swap3A_530, %swap3A_531], %shift_right_arithmetic3A_526 {strides = array<i32>} : memref<2x2x128xi32, #tpu.memory_space<vmem>>, vector<16xi32>,
        %get3A_533 = arith.constant 1 : i32
        %get3A_534 = arith.constant 1 : i32
        %get3A_535 = arith.index_cast %get3A_533 : i32 to index
        %get3A_536 = arith.index_cast %get3A_534 : i32 to index
        %get3A_537 = arith.constant 64 : index
        %get3A_538 = tpu.vector_load %arg5[%get3A_535, %get3A_536, %get3A_537] {strides = array<i32>} : memref<2x2x128xi32, #tpu.memory_space<vmem>>, vector<16xi32>,
        %shift_right_arithmetic3A_539 = arith.constant 1 : i32
        %shift_right_arithmetic3A_540 = vector.broadcast %shift_right_arithmetic3A_539 : i32 to vector<16xi32>
        %shift_right_arithmetic3A_541 = arith.shrsi %get3A_538, %shift_right_arithmetic3A_540 : vector<16xi32>
        %swap3A_542 = arith.constant 1 : i32
        %swap3A_543 = arith.constant 1 : i32
        %swap3A_544 = arith.index_cast %swap3A_542 : i32 to index
        %swap3A_545 = arith.index_cast %swap3A_543 : i32 to index
        %swap3A_546 = arith.constant 64 : index
        %swap3A_547 = tpu.vector_load %arg6[%swap3A_544, %swap3A_545, %swap3A_546] {strides = array<i32>} : memref<2x2x128xi32, #tpu.memory_space<vmem>>, vector<16xi32>,
        tpu.vector_store %arg6[%swap3A_544, %swap3A_545, %swap3A_546], %shift_right_arithmetic3A_541 {strides = array<i32>} : memref<2x2x128xi32, #tpu.memory_space<vmem>>, vector<16xi32>,
        %get3A_548 = arith.constant 1 : i32
        %get3A_549 = arith.constant 1 : i32
        %get3A_550 = arith.index_cast %get3A_548 : i32 to index
        %get3A_551 = arith.index_cast %get3A_549 : i32 to index
        %get3A_552 = arith.constant 80 : index
        %get3A_553 = tpu.vector_load %arg5[%get3A_550, %get3A_551, %get3A_552] {strides = array<i32>} : memref<2x2x128xi32, #tpu.memory_space<vmem>>, vector<16xi32>,
        %shift_right_arithmetic3A_554 = arith.constant 1 : i32
        %shift_right_arithmetic3A_555 = vector.broadcast %shift_right_arithmetic3A_554 : i32 to vector<16xi32>
        %shift_right_arithmetic3A_556 = arith.shrsi %get3A_553, %shift_right_arithmetic3A_555 : vector<16xi32>
        %swap3A_557 = arith.constant 1 : i32
        %swap3A_558 = arith.constant 1 : i32
        %swap3A_559 = arith.index_cast %swap3A_557 : i32 to index
        %swap3A_560 = arith.index_cast %swap3A_558 : i32 to index
        %swap3A_561 = arith.constant 80 : index
        %swap3A_562 = tpu.vector_load %arg6[%swap3A_559, %swap3A_560, %swap3A_561] {strides = array<i32>} : memref<2x2x128xi32, #tpu.memory_space<vmem>>, vector<16xi32>,
        tpu.vector_store %arg6[%swap3A_559, %swap3A_560, %swap3A_561], %shift_right_arithmetic3A_556 {strides = array<i32>} : memref<2x2x128xi32, #tpu.memory_space<vmem>>, vector<16xi32>,
        %get3A_563 = arith.constant 1 : i32
        %get3A_564 = arith.constant 1 : i32
        %get3A_565 = arith.index_cast %get3A_563 : i32 to index
        %get3A_566 = arith.index_cast %get3A_564 : i32 to index
        %get3A_567 = arith.constant 96 : index
        %get3A_568 = tpu.vector_load %arg5[%get3A_565, %get3A_566, %get3A_567] {strides = array<i32>} : memref<2x2x128xi32, #tpu.memory_space<vmem>>, vector<16xi32>,
        %shift_right_arithmetic3A_569 = arith.constant 1 : i32
        %shift_right_arithmetic3A_570 = vector.broadcast %shift_right_arithmetic3A_569 : i32 to vector<16xi32>
        %shift_right_arithmetic3A_571 = arith.shrsi %get3A_568, %shift_right_arithmetic3A_570 : vector<16xi32>
        %swap3A_572 = arith.constant 1 : i32
        %swap3A_573 = arith.constant 1 : i32
        %swap3A_574 = arith.index_cast %swap3A_572 : i32 to index
        %swap3A_575 = arith.index_cast %swap3A_573 : i32 to index
        %swap3A_576 = arith.constant 96 : index
        %swap3A_577 = tpu.vector_load %arg6[%swap3A_574, %swap3A_575, %swap3A_576] {strides = array<i32>} : memref<2x2x128xi32, #tpu.memory_space<vmem>>, vector<16xi32>,
        tpu.vector_store %arg6[%swap3A_574, %swap3A_575, %swap3A_576], %shift_right_arithmetic3A_571 {strides = array<i32>} : memref<2x2x128xi32, #tpu.memory_space<vmem>>, vector<16xi32>,
        %get3A_578 = arith.constant 1 : i32
        %get3A_579 = arith.constant 1 : i32
        %get3A_580 = arith.index_cast %get3A_578 : i32 to index
        %get3A_581 = arith.index_cast %get3A_579 : i32 to index
        %get3A_582 = arith.constant 112 : index
        %get3A_583 = tpu.vector_load %arg5[%get3A_580, %get3A_581, %get3A_582] {strides = array<i32>} : memref<2x2x128xi32, #tpu.memory_space<vmem>>, vector<16xi32>,
        %shift_right_arithmetic3A_584 = arith.constant 1 : i32
        %shift_right_arithmetic3A_585 = vector.broadcast %shift_right_arithmetic3A_584 : i32 to vector<16xi32>
        %shift_right_arithmetic3A_586 = arith.shrsi %get3A_583, %shift_right_arithmetic3A_585 : vector<16xi32>
        %swap3A_587 = arith.constant 1 : i32
        %swap3A_588 = arith.constant 1 : i32
        %swap3A_589 = arith.index_cast %swap3A_587 : i32 to index
        %swap3A_590 = arith.index_cast %swap3A_588 : i32 to index
        %swap3A_591 = arith.constant 112 : index
        %swap3A_592 = tpu.vector_load %arg6[%swap3A_589, %swap3A_590, %swap3A_591] {strides = array<i32>} : memref<2x2x128xi32, #tpu.memory_space<vmem>>, vector<16xi32>,
        tpu.vector_store %arg6[%swap3A_589, %swap3A_590, %swap3A_591], %shift_right_arithmetic3A_586 {strides = array<i32>} : memref<2x2x128xi32, #tpu.memory_space<vmem>>, vector<16xi32>,
        %dma_start3A_593 = arith.constant 1 : i32
        %dma_start3A_594 = arith.constant 0 : i32
        %dma_start3A_595 = arith.constant 0 : i32
        %dma_start3A_596 = arith.constant 0 : i32
        %dma_start3A_597 = tpu.memref_slice %arg8[%dma_start3A_595, %dma_start3A_596] : memref<256x128xf32, #tpu.memory_space<vmem>> -> memref<128x128xf32, #tpu.memory_space<vmem>>
        %dma_start3A_598 = arith.constant 0 : i32
        %dma_start3A_599 = tpu.memref_slice %arg6[%dma_start3A_593, %dma_start3A_594, %dma_start3A_598] : memref<2x2x128xi32, #tpu.memory_space<vmem>> -> memref<1x1x128xi32, #tpu.memory_space<vmem>>
        %dma_start3A_600 = tpu.memref_squeeze %dma_start3A_599 : memref<1x1x128xi32, #tpu.memory_space<vmem>> -> memref<128xi32, #tpu.memory_space<vmem>>
        %dma_start3A_601 = arith.constant 0 : i32
        %dma_start3A_602 = arith.constant 0 : i32
        %dma_start3A_603 = tpu.memref_slice %arg3[%dma_start3A_601, %dma_start3A_602] : memref<500000x128xf32, #tpu.memory_space<hbm>> -> memref<500000x128xf32, #tpu.memory_space<hbm>>
        tpu.enqueue_indirect_dma source(%dma_start3A_603 : memref<500000x128xf32, #tpu.memory_space<hbm>>) target(%dma_start3A_597 : memref<128x128xf32, #tpu.memory_space<vmem>>) offsets(%dma_start3A_600 : memref<128xi32, #tpu.memory_space<vmem>>) semaphore(%arg11 : memref<!tpu.dma_semaphore, #tpu.memory_space<semaphore_mem>>)
        %dma_start3A_604 = arith.constant 1 : i32
        %dma_start3A_605 = arith.constant 1 : i32
        %dma_start3A_606 = arith.constant 128 : i32
        %dma_start3A_607 = arith.constant 0 : i32
        %dma_start3A_608 = tpu.memref_slice %arg8[%dma_start3A_606, %dma_start3A_607] : memref<256x128xf32, #tpu.memory_space<vmem>> -> memref<128x128xf32, #tpu.memory_space<vmem>>
        %dma_start3A_609 = arith.constant 0 : i32
        %dma_start3A_610 = tpu.memref_slice %arg6[%dma_start3A_604, %dma_start3A_605, %dma_start3A_609] : memref<2x2x128xi32, #tpu.memory_space<vmem>> -> memref<1x1x128xi32, #tpu.memory_space<vmem>>
        %dma_start3A_611 = tpu.memref_squeeze %dma_start3A_610 : memref<1x1x128xi32, #tpu.memory_space<vmem>> -> memref<128xi32, #tpu.memory_space<vmem>>
        %dma_start3A_612 = arith.constant 0 : i32
        %dma_start3A_613 = arith.constant 0 : i32
        %dma_start3A_614 = tpu.memref_slice %arg3[%dma_start3A_612, %dma_start3A_613] : memref<500000x128xf32, #tpu.memory_space<hbm>> -> memref<500000x128xf32, #tpu.memory_space<hbm>>
        tpu.enqueue_indirect_dma source(%dma_start3A_614 : memref<500000x128xf32, #tpu.memory_space<hbm>>) target(%dma_start3A_608 : memref<128x128xf32, #tpu.memory_space<vmem>>) offsets(%dma_start3A_611 : memref<128xi32, #tpu.memory_space<vmem>>) semaphore(%arg11 : memref<!tpu.dma_semaphore, #tpu.memory_space<semaphore_mem>>)
      } else {
      }
      %parallel_loop3A = arith.constant 0 : i32
      %parallel_loop3A_302 = arith.constant 256 : i32
      %parallel_loop3A_303 = arith.constant 1 : i32
      scf.for %parallel_loop3A_347 = %parallel_loop3A to %parallel_loop3A_302 step %parallel_loop3A_303  : i32 {
        %parallel_loop3A_348 = vector.broadcast %parallel_loop3A_347 : i32 to vector<16xi32>
        %parallel_loop3A_349 = arith.constant 0 : i32
        %parallel_loop3A_350 = vector.broadcast %parallel_loop3A_349 : i32 to vector<16xi32>
        %parallel_loop3A_351 = arith.constant 7 : i32
        %parallel_loop3A_352 = vector.broadcast %parallel_loop3A_351 : i32 to vector<16xi32>
        %parallel_loop3A_353 = arith.shrsi %parallel_loop3A_348, %parallel_loop3A_352 : vector<16xi32>
        %parallel_loop3A_354 = arith.constant 127 : i32
        %parallel_loop3A_355 = arith.andi %parallel_loop3A_347, %parallel_loop3A_354 : i32
        %parallel_loop3A_356 = vector.broadcast %parallel_loop3A_355 : i32 to vector<16xi32>
        %parallel_loop3A_357 = tpu.vector_load_idx %arg5[%parallel_loop3A_350, %parallel_loop3A_353, %parallel_loop3A_356] : memref<2x2x128xi32, #tpu.memory_space<vmem>>[vector<16xi32>, vector<16xi32>, vector<16xi32>], vector<16xi32>,
        %parallel_loop3A_358 = arith.constant 1 : i32
        %parallel_loop3A_359 = vector.broadcast %parallel_loop3A_358 : i32 to vector<16xi32>
        %parallel_loop3A_360 = arith.andi %parallel_loop3A_357, %parallel_loop3A_359 : vector<16xi32>
        %parallel_loop3A_361 = arith.constant 6 : i32
        %parallel_loop3A_362 = vector.broadcast %parallel_loop3A_361 : i32 to vector<16xi32>
        %parallel_loop3A_363 = arith.shli %parallel_loop3A_360, %parallel_loop3A_362 : vector<16xi32>
        %parallel_loop3A_364 = arith.constant 0 : i32
        %parallel_loop3A_365 = vector.broadcast %parallel_loop3A_364 : i32 to vector<16xi32>
        %parallel_loop3A_366 = arith.addi %parallel_loop3A_363, %parallel_loop3A_365 : vector<16xi32>
        %parallel_loop3A_367 = arith.addi %parallel_loop3A_366, %iota3A : vector<16xi32>
        %parallel_loop3A_368 = tpu.vector_load_idx %arg7[%parallel_loop3A_348, %parallel_loop3A_367] : memref<256x128xf32, #tpu.memory_space<vmem>>[vector<16xi32>, vector<16xi32>], vector<16xf32>,
        %parallel_loop3A_369 = arith.constant 8.000000e+00 : f32
        %parallel_loop3A_370 = vector.broadcast %parallel_loop3A_369 : f32 to vector<16xf32>
        %parallel_loop3A_371 = arith.mulf %parallel_loop3A_368, %parallel_loop3A_370 : vector<16xf32>
        %parallel_loop3A_372 = arith.index_cast %parallel_loop3A_347 : i32 to index
        %parallel_loop3A_373 = arith.constant 0 : index
        %parallel_loop3A_374 = tpu.vector_load %arg9[%parallel_loop3A_372, %parallel_loop3A_373] {strides = array<i32>} : memref<256x64xf32, #tpu.memory_space<vmem>>, vector<16xf32>,
        tpu.vector_store %arg9[%parallel_loop3A_372, %parallel_loop3A_373], %parallel_loop3A_371 {strides = array<i32>} : memref<256x64xf32, #tpu.memory_space<vmem>>, vector<16xf32>,
        %parallel_loop3A_375 = arith.constant 16 : i32
        %parallel_loop3A_376 = vector.broadcast %parallel_loop3A_375 : i32 to vector<16xi32>
        %parallel_loop3A_377 = arith.addi %parallel_loop3A_363, %parallel_loop3A_376 : vector<16xi32>
        %parallel_loop3A_378 = arith.addi %parallel_loop3A_377, %iota3A : vector<16xi32>
        %parallel_loop3A_379 = tpu.vector_load_idx %arg7[%parallel_loop3A_348, %parallel_loop3A_378] : memref<256x128xf32, #tpu.memory_space<vmem>>[vector<16xi32>, vector<16xi32>], vector<16xf32>,
        %parallel_loop3A_380 = arith.constant 8.000000e+00 : f32
        %parallel_loop3A_381 = vector.broadcast %parallel_loop3A_380 : f32 to vector<16xf32>
        %parallel_loop3A_382 = arith.mulf %parallel_loop3A_379, %parallel_loop3A_381 : vector<16xf32>
        %parallel_loop3A_383 = arith.index_cast %parallel_loop3A_347 : i32 to index
        %parallel_loop3A_384 = arith.constant 16 : index
        %parallel_loop3A_385 = tpu.vector_load %arg9[%parallel_loop3A_383, %parallel_loop3A_384] {strides = array<i32>} : memref<256x64xf32, #tpu.memory_space<vmem>>, vector<16xf32>,
        tpu.vector_store %arg9[%parallel_loop3A_383, %parallel_loop3A_384], %parallel_loop3A_382 {strides = array<i32>} : memref<256x64xf32, #tpu.memory_space<vmem>>, vector<16xf32>,
        %parallel_loop3A_386 = arith.constant 32 : i32
        %parallel_loop3A_387 = vector.broadcast %parallel_loop3A_386 : i32 to vector<16xi32>
        %parallel_loop3A_388 = arith.addi %parallel_loop3A_363, %parallel_loop3A_387 : vector<16xi32>
        %parallel_loop3A_389 = arith.addi %parallel_loop3A_388, %iota3A : vector<16xi32>
        %parallel_loop3A_390 = tpu.vector_load_idx %arg7[%parallel_loop3A_348, %parallel_loop3A_389] : memref<256x128xf32, #tpu.memory_space<vmem>>[vector<16xi32>, vector<16xi32>], vector<16xf32>,
        %parallel_loop3A_391 = arith.constant 8.000000e+00 : f32
        %parallel_loop3A_392 = vector.broadcast %parallel_loop3A_391 : f32 to vector<16xf32>
        %parallel_loop3A_393 = arith.mulf %parallel_loop3A_390, %parallel_loop3A_392 : vector<16xf32>
        %parallel_loop3A_394 = arith.index_cast %parallel_loop3A_347 : i32 to index
        %parallel_loop3A_395 = arith.constant 32 : index
        %parallel_loop3A_396 = tpu.vector_load %arg9[%parallel_loop3A_394, %parallel_loop3A_395] {strides = array<i32>} : memref<256x64xf32, #tpu.memory_space<vmem>>, vector<16xf32>,
        tpu.vector_store %arg9[%parallel_loop3A_394, %parallel_loop3A_395], %parallel_loop3A_393 {strides = array<i32>} : memref<256x64xf32, #tpu.memory_space<vmem>>, vector<16xf32>,
        %parallel_loop3A_397 = arith.constant 48 : i32
        %parallel_loop3A_398 = vector.broadcast %parallel_loop3A_397 : i32 to vector<16xi32>
        %parallel_loop3A_399 = arith.addi %parallel_loop3A_363, %parallel_loop3A_398 : vector<16xi32>
        %parallel_loop3A_400 = arith.addi %parallel_loop3A_399, %iota3A : vector<16xi32>
        %parallel_loop3A_401 = tpu.vector_load_idx %arg7[%parallel_loop3A_348, %parallel_loop3A_400] : memref<256x128xf32, #tpu.memory_space<vmem>>[vector<16xi32>, vector<16xi32>], vector<16xf32>,
        %parallel_loop3A_402 = arith.constant 8.000000e+00 : f32
        %parallel_loop3A_403 = vector.broadcast %parallel_loop3A_402 : f32 to vector<16xf32>
        %parallel_loop3A_404 = arith.mulf %parallel_loop3A_401, %parallel_loop3A_403 : vector<16xf32>
        %parallel_loop3A_405 = arith.index_cast %parallel_loop3A_347 : i32 to index
        %parallel_loop3A_406 = arith.constant 48 : index
        %parallel_loop3A_407 = tpu.vector_load %arg9[%parallel_loop3A_405, %parallel_loop3A_406] {strides = array<i32>} : memref<256x64xf32, #tpu.memory_space<vmem>>, vector<16xf32>,
        tpu.vector_store %arg9[%parallel_loop3A_405, %parallel_loop3A_406], %parallel_loop3A_404 {strides = array<i32>} : memref<256x64xf32, #tpu.memory_space<vmem>>, vector<16xf32>,
      } {sc.loop_unroll_factor = 4 : i64, sc.parallel_access}
      %mul3A_304 = arith.constant 256 : i32
      %mul3A_305 = arith.muli %add3A_276, %mul3A_304 : i32
      %add3A_306 = arith.addi %mul3A_4, %mul3A_305 : i32
      "tpu.region"() ({
        %run_scoped3A_347 = tpu.sem_alloc : memref<!tpu.dma_semaphore, #tpu.memory_space<semaphore_mem>>
        %dma_start3A_348 = arith.constant 0 : i32
        %dma_start3A_349 = tpu.memref_slice %arg4[%add3A_306, %dma_start3A_348] : memref<819200x64xf32, #tpu.memory_space<hbm>> -> memref<256x64xf32, #tpu.memory_space<hbm>>
        %dma_start3A_350 = arith.constant 0 : i32
        %dma_start3A_351 = tpu.memref_slice %arg4[%add3A_306, %dma_start3A_350] : memref<819200x64xf32, #tpu.memory_space<hbm>> -> memref<256x64xf32, #tpu.memory_space<hbm>>
        tpu.enqueue_dma source(%arg9 : memref<256x64xf32, #tpu.memory_space<vmem>>) target(%dma_start3A_351 : memref<256x64xf32, #tpu.memory_space<hbm>>) target_semaphore(%run_scoped3A_347 : memref<!tpu.dma_semaphore, #tpu.memory_space<semaphore_mem>>)
        %dma_wait3A_352 = arith.constant 0 : i32
        %dma_wait3A_353 = tpu.memref_slice %arg4[%add3A_306, %dma_wait3A_352] : memref<819200x64xf32, #tpu.memory_space<hbm>> -> memref<256x64xf32, #tpu.memory_space<hbm>>
        %dma_wait3A_354 = arith.constant 0 : i32
        %dma_wait3A_355 = tpu.memref_slice %arg4[%add3A_306, %dma_wait3A_354] : memref<819200x64xf32, #tpu.memory_space<hbm>> -> memref<256x64xf32, #tpu.memory_space<hbm>>
        tpu.wait_dma2 semaphore(%run_scoped3A_347 : memref<!tpu.dma_semaphore, #tpu.memory_space<semaphore_mem>>) src(%arg9 : memref<256x64xf32, #tpu.memory_space<vmem>>) dst(%dma_wait3A_355 : memref<256x64xf32, #tpu.memory_space<hbm>>)
        tpu.yield
      }) : () -> ()
      %mul3A_307 = arith.constant 2 : i32
      %mul3A_308 = arith.muli %mul3A_307, %scan3A_271 : i32
      %add3A_309 = arith.constant 1 : i32
      %add3A_310 = arith.addi %mul3A_308, %add3A_309 : i32
      %dma_wait3A_311 = arith.constant 1 : i32
      %dma_wait3A_312 = arith.constant 0 : i32
      %dma_wait3A_313 = arith.constant 0 : i32
      %dma_wait3A_314 = arith.constant 0 : i32
      %dma_wait3A_315 = tpu.memref_slice %arg8[%dma_wait3A_313, %dma_wait3A_314] : memref<256x128xf32, #tpu.memory_space<vmem>> -> memref<128x128xf32, #tpu.memory_space<vmem>>
      %dma_wait3A_316 = arith.constant 0 : i32
      %dma_wait3A_317 = tpu.memref_slice %arg6[%dma_wait3A_311, %dma_wait3A_312, %dma_wait3A_316] : memref<2x2x128xi32, #tpu.memory_space<vmem>> -> memref<1x1x128xi32, #tpu.memory_space<vmem>>
      %dma_wait3A_318 = tpu.memref_squeeze %dma_wait3A_317 : memref<1x1x128xi32, #tpu.memory_space<vmem>> -> memref<128xi32, #tpu.memory_space<vmem>>
      %dma_wait3A_319 = arith.constant 0 : i32
      %dma_wait3A_320 = arith.constant 0 : i32
      %dma_wait3A_321 = tpu.memref_slice %arg3[%dma_wait3A_319, %dma_wait3A_320] : memref<500000x128xf32, #tpu.memory_space<hbm>> -> memref<500000x128xf32, #tpu.memory_space<hbm>>
      tpu.wait_indirect_dma semaphore(%arg11 : memref<!tpu.dma_semaphore, #tpu.memory_space<semaphore_mem>>) src(%dma_wait3A_321 : memref<500000x128xf32, #tpu.memory_space<hbm>>) dst(%dma_wait3A_315 : memref<128x128xf32, #tpu.memory_space<vmem>>)
      %dma_wait3A_322 = arith.constant 1 : i32
      %dma_wait3A_323 = arith.constant 1 : i32
      %dma_wait3A_324 = arith.constant 128 : i32
      %dma_wait3A_325 = arith.constant 0 : i32
      %dma_wait3A_326 = tpu.memref_slice %arg8[%dma_wait3A_324, %dma_wait3A_325] : memref<256x128xf32, #tpu.memory_space<vmem>> -> memref<128x128xf32, #tpu.memory_space<vmem>>
      %dma_wait3A_327 = arith.constant 0 : i32
      %dma_wait3A_328 = tpu.memref_slice %arg6[%dma_wait3A_322, %dma_wait3A_323, %dma_wait3A_327] : memref<2x2x128xi32, #tpu.memory_space<vmem>> -> memref<1x1x128xi32, #tpu.memory_space<vmem>>
      %dma_wait3A_329 = tpu.memref_squeeze %dma_wait3A_328 : memref<1x1x128xi32, #tpu.memory_space<vmem>> -> memref<128xi32, #tpu.memory_space<vmem>>
      %dma_wait3A_330 = arith.constant 0 : i32
      %dma_wait3A_331 = arith.constant 0 : i32
      %dma_wait3A_332 = tpu.memref_slice %arg3[%dma_wait3A_330, %dma_wait3A_331] : memref<500000x128xf32, #tpu.memory_space<hbm>> -> memref<500000x128xf32, #tpu.memory_space<hbm>>
      tpu.wait_indirect_dma semaphore(%arg11 : memref<!tpu.dma_semaphore, #tpu.memory_space<semaphore_mem>>) src(%dma_wait3A_332 : memref<500000x128xf32, #tpu.memory_space<hbm>>) dst(%dma_wait3A_326 : memref<128x128xf32, #tpu.memory_space<vmem>>)
      %add3A_333 = arith.constant 1 : i32
      %add3A_334 = arith.addi %add3A_310, %add3A_333 : i32
      %lt3A_335 = arith.constant 100 : i32
      %lt3A_336 = arith.cmpi slt, %add3A_334, %lt3A_335 : i32
      %convert_element_type3A_337 = arith.extui %lt3A_336 : i1 to i32
      %cond3A_338 = arith.constant 0 : i32
      %cond3A_339 = arith.cmpi ne, %convert_element_type3A_337, %cond3A_338 : i32
      scf.if %cond3A_339 {
        %add3A_347 = arith.constant 1 : i32
        %add3A_348 = arith.addi %add3A_310, %add3A_347 : i32
        %mul3A_349 = arith.constant 2 : i32
        %mul3A_350 = arith.muli %add3A_348, %mul3A_349 : i32
        %add3A_351 = arith.addi %mul3A_2, %mul3A_350 : i32
        %run_scoped3A_352 = arith.constant 0 : i32
        "tpu.region"() ({
          %run_scoped3A_615 = tpu.sem_alloc : memref<!tpu.dma_semaphore, #tpu.memory_space<semaphore_mem>>
          %dma_start3A_616 = arith.constant 0 : i32
          %dma_start3A_617 = arith.constant 0 : i32
          %dma_start3A_618 = tpu.memref_slice %arg5[%run_scoped3A_352, %dma_start3A_616, %dma_start3A_617] : memref<2x2x128xi32, #tpu.memory_space<vmem>> -> memref<1x2x128xi32, #tpu.memory_space<vmem>>
          %dma_start3A_619 = tpu.memref_squeeze %dma_start3A_618 : memref<1x2x128xi32, #tpu.memory_space<vmem>> -> memref<2x128xi32, #tpu.memory_space<vmem>>
          %dma_start3A_620 = arith.constant 0 : i32
          %dma_start3A_621 = tpu.memref_slice %arg2[%add3A_351, %dma_start3A_620] : memref<6400x128xi32, #tpu.memory_space<hbm>> -> memref<2x128xi32, #tpu.memory_space<hbm>>
          %dma_start3A_622 = arith.constant 0 : i32
          %dma_start3A_623 = arith.constant 0 : i32
          %dma_start3A_624 = tpu.memref_slice %arg5[%run_scoped3A_352, %dma_start3A_622, %dma_start3A_623] : memref<2x2x128xi32, #tpu.memory_space<vmem>> -> memref<1x2x128xi32, #tpu.memory_space<vmem>>
          %dma_start3A_625 = tpu.memref_squeeze %dma_start3A_624 : memref<1x2x128xi32, #tpu.memory_space<vmem>> -> memref<2x128xi32, #tpu.memory_space<vmem>>
          %dma_start3A_626 = arith.constant 0 : i32
          %dma_start3A_627 = tpu.memref_slice %arg2[%add3A_351, %dma_start3A_626] : memref<6400x128xi32, #tpu.memory_space<hbm>> -> memref<2x128xi32, #tpu.memory_space<hbm>>
          tpu.enqueue_dma source(%dma_start3A_627 : memref<2x128xi32, #tpu.memory_space<hbm>>) target(%dma_start3A_625 : memref<2x128xi32, #tpu.memory_space<vmem>>) target_semaphore(%run_scoped3A_615 : memref<!tpu.dma_semaphore, #tpu.memory_space<semaphore_mem>>)
          %dma_wait3A_628 = arith.constant 0 : i32
          %dma_wait3A_629 = arith.constant 0 : i32
          %dma_wait3A_630 = tpu.memref_slice %arg5[%run_scoped3A_352, %dma_wait3A_628, %dma_wait3A_629] : memref<2x2x128xi32, #tpu.memory_space<vmem>> -> memref<1x2x128xi32, #tpu.memory_space<vmem>>
          %dma_wait3A_631 = tpu.memref_squeeze %dma_wait3A_630 : memref<1x2x128xi32, #tpu.memory_space<vmem>> -> memref<2x128xi32, #tpu.memory_space<vmem>>
          %dma_wait3A_632 = arith.constant 0 : i32
          %dma_wait3A_633 = tpu.memref_slice %arg2[%add3A_351, %dma_wait3A_632] : memref<6400x128xi32, #tpu.memory_space<hbm>> -> memref<2x128xi32, #tpu.memory_space<hbm>>
          %dma_wait3A_634 = arith.constant 0 : i32
          %dma_wait3A_635 = arith.constant 0 : i32
          %dma_wait3A_636 = tpu.memref_slice %arg5[%run_scoped3A_352, %dma_wait3A_634, %dma_wait3A_635] : memref<2x2x128xi32, #tpu.memory_space<vmem>> -> memref<1x2x128xi32, #tpu.memory_space<vmem>>
          %dma_wait3A_637 = tpu.memref_squeeze %dma_wait3A_636 : memref<1x2x128xi32, #tpu.memory_space<vmem>> -> memref<2x128xi32, #tpu.memory_space<vmem>>
          %dma_wait3A_638 = arith.constant 0 : i32
          %dma_wait3A_639 = tpu.memref_slice %arg2[%add3A_351, %dma_wait3A_638] : memref<6400x128xi32, #tpu.memory_space<hbm>> -> memref<2x128xi32, #tpu.memory_space<hbm>>
          tpu.wait_dma2 semaphore(%run_scoped3A_615 : memref<!tpu.dma_semaphore, #tpu.memory_space<semaphore_mem>>) src(%dma_wait3A_639 : memref<2x128xi32, #tpu.memory_space<hbm>>) dst(%dma_wait3A_637 : memref<2x128xi32, #tpu.memory_space<vmem>>)
          tpu.yield
        }) : () -> ()
        %get3A_353 = arith.constant 0 : i32
        %get3A_354 = arith.constant 0 : i32
        %get3A_355 = arith.index_cast %get3A_353 : i32 to index
        %get3A_356 = arith.index_cast %get3A_354 : i32 to index
        %get3A_357 = arith.constant 0 : index
        %get3A_358 = tpu.vector_load %arg5[%get3A_355, %get3A_356, %get3A_357] {strides = array<i32>} : memref<2x2x128xi32, #tpu.memory_space<vmem>>, vector<16xi32>,
        %shift_right_arithmetic3A_359 = arith.constant 1 : i32
        %shift_right_arithmetic3A_360 = vector.broadcast %shift_right_arithmetic3A_359 : i32 to vector<16xi32>
        %shift_right_arithmetic3A_361 = arith.shrsi %get3A_358, %shift_right_arithmetic3A_360 : vector<16xi32>
        %swap3A_362 = arith.constant 0 : i32
        %swap3A_363 = arith.constant 0 : i32
        %swap3A_364 = arith.index_cast %swap3A_362 : i32 to index
        %swap3A_365 = arith.index_cast %swap3A_363 : i32 to index
        %swap3A_366 = arith.constant 0 : index
        %swap3A_367 = tpu.vector_load %arg6[%swap3A_364, %swap3A_365, %swap3A_366] {strides = array<i32>} : memref<2x2x128xi32, #tpu.memory_space<vmem>>, vector<16xi32>,
        tpu.vector_store %arg6[%swap3A_364, %swap3A_365, %swap3A_366], %shift_right_arithmetic3A_361 {strides = array<i32>} : memref<2x2x128xi32, #tpu.memory_space<vmem>>, vector<16xi32>,
        %get3A_368 = arith.constant 0 : i32
        %get3A_369 = arith.constant 0 : i32
        %get3A_370 = arith.index_cast %get3A_368 : i32 to index
        %get3A_371 = arith.index_cast %get3A_369 : i32 to index
        %get3A_372 = arith.constant 16 : index
        %get3A_373 = tpu.vector_load %arg5[%get3A_370, %get3A_371, %get3A_372] {strides = array<i32>} : memref<2x2x128xi32, #tpu.memory_space<vmem>>, vector<16xi32>,
        %shift_right_arithmetic3A_374 = arith.constant 1 : i32
        %shift_right_arithmetic3A_375 = vector.broadcast %shift_right_arithmetic3A_374 : i32 to vector<16xi32>
        %shift_right_arithmetic3A_376 = arith.shrsi %get3A_373, %shift_right_arithmetic3A_375 : vector<16xi32>
        %swap3A_377 = arith.constant 0 : i32
        %swap3A_378 = arith.constant 0 : i32
        %swap3A_379 = arith.index_cast %swap3A_377 : i32 to index
        %swap3A_380 = arith.index_cast %swap3A_378 : i32 to index
        %swap3A_381 = arith.constant 16 : index
        %swap3A_382 = tpu.vector_load %arg6[%swap3A_379, %swap3A_380, %swap3A_381] {strides = array<i32>} : memref<2x2x128xi32, #tpu.memory_space<vmem>>, vector<16xi32>,
        tpu.vector_store %arg6[%swap3A_379, %swap3A_380, %swap3A_381], %shift_right_arithmetic3A_376 {strides = array<i32>} : memref<2x2x128xi32, #tpu.memory_space<vmem>>, vector<16xi32>,
        %get3A_383 = arith.constant 0 : i32
        %get3A_384 = arith.constant 0 : i32
        %get3A_385 = arith.index_cast %get3A_383 : i32 to index
        %get3A_386 = arith.index_cast %get3A_384 : i32 to index
        %get3A_387 = arith.constant 32 : index
        %get3A_388 = tpu.vector_load %arg5[%get3A_385, %get3A_386, %get3A_387] {strides = array<i32>} : memref<2x2x128xi32, #tpu.memory_space<vmem>>, vector<16xi32>,
        %shift_right_arithmetic3A_389 = arith.constant 1 : i32
        %shift_right_arithmetic3A_390 = vector.broadcast %shift_right_arithmetic3A_389 : i32 to vector<16xi32>
        %shift_right_arithmetic3A_391 = arith.shrsi %get3A_388, %shift_right_arithmetic3A_390 : vector<16xi32>
        %swap3A_392 = arith.constant 0 : i32
        %swap3A_393 = arith.constant 0 : i32
        %swap3A_394 = arith.index_cast %swap3A_392 : i32 to index
        %swap3A_395 = arith.index_cast %swap3A_393 : i32 to index
        %swap3A_396 = arith.constant 32 : index
        %swap3A_397 = tpu.vector_load %arg6[%swap3A_394, %swap3A_395, %swap3A_396] {strides = array<i32>} : memref<2x2x128xi32, #tpu.memory_space<vmem>>, vector<16xi32>,
        tpu.vector_store %arg6[%swap3A_394, %swap3A_395, %swap3A_396], %shift_right_arithmetic3A_391 {strides = array<i32>} : memref<2x2x128xi32, #tpu.memory_space<vmem>>, vector<16xi32>,
        %get3A_398 = arith.constant 0 : i32
        %get3A_399 = arith.constant 0 : i32
        %get3A_400 = arith.index_cast %get3A_398 : i32 to index
        %get3A_401 = arith.index_cast %get3A_399 : i32 to index
        %get3A_402 = arith.constant 48 : index
        %get3A_403 = tpu.vector_load %arg5[%get3A_400, %get3A_401, %get3A_402] {strides = array<i32>} : memref<2x2x128xi32, #tpu.memory_space<vmem>>, vector<16xi32>,
        %shift_right_arithmetic3A_404 = arith.constant 1 : i32
        %shift_right_arithmetic3A_405 = vector.broadcast %shift_right_arithmetic3A_404 : i32 to vector<16xi32>
        %shift_right_arithmetic3A_406 = arith.shrsi %get3A_403, %shift_right_arithmetic3A_405 : vector<16xi32>
        %swap3A_407 = arith.constant 0 : i32
        %swap3A_408 = arith.constant 0 : i32
        %swap3A_409 = arith.index_cast %swap3A_407 : i32 to index
        %swap3A_410 = arith.index_cast %swap3A_408 : i32 to index
        %swap3A_411 = arith.constant 48 : index
        %swap3A_412 = tpu.vector_load %arg6[%swap3A_409, %swap3A_410, %swap3A_411] {strides = array<i32>} : memref<2x2x128xi32, #tpu.memory_space<vmem>>, vector<16xi32>,
        tpu.vector_store %arg6[%swap3A_409, %swap3A_410, %swap3A_411], %shift_right_arithmetic3A_406 {strides = array<i32>} : memref<2x2x128xi32, #tpu.memory_space<vmem>>, vector<16xi32>,
        %get3A_413 = arith.constant 0 : i32
        %get3A_414 = arith.constant 0 : i32
        %get3A_415 = arith.index_cast %get3A_413 : i32 to index
        %get3A_416 = arith.index_cast %get3A_414 : i32 to index
        %get3A_417 = arith.constant 64 : index
        %get3A_418 = tpu.vector_load %arg5[%get3A_415, %get3A_416, %get3A_417] {strides = array<i32>} : memref<2x2x128xi32, #tpu.memory_space<vmem>>, vector<16xi32>,
        %shift_right_arithmetic3A_419 = arith.constant 1 : i32
        %shift_right_arithmetic3A_420 = vector.broadcast %shift_right_arithmetic3A_419 : i32 to vector<16xi32>
        %shift_right_arithmetic3A_421 = arith.shrsi %get3A_418, %shift_right_arithmetic3A_420 : vector<16xi32>
        %swap3A_422 = arith.constant 0 : i32
        %swap3A_423 = arith.constant 0 : i32
        %swap3A_424 = arith.index_cast %swap3A_422 : i32 to index
        %swap3A_425 = arith.index_cast %swap3A_423 : i32 to index
        %swap3A_426 = arith.constant 64 : index
        %swap3A_427 = tpu.vector_load %arg6[%swap3A_424, %swap3A_425, %swap3A_426] {strides = array<i32>} : memref<2x2x128xi32, #tpu.memory_space<vmem>>, vector<16xi32>,
        tpu.vector_store %arg6[%swap3A_424, %swap3A_425, %swap3A_426], %shift_right_arithmetic3A_421 {strides = array<i32>} : memref<2x2x128xi32, #tpu.memory_space<vmem>>, vector<16xi32>,
        %get3A_428 = arith.constant 0 : i32
        %get3A_429 = arith.constant 0 : i32
        %get3A_430 = arith.index_cast %get3A_428 : i32 to index
        %get3A_431 = arith.index_cast %get3A_429 : i32 to index
        %get3A_432 = arith.constant 80 : index
        %get3A_433 = tpu.vector_load %arg5[%get3A_430, %get3A_431, %get3A_432] {strides = array<i32>} : memref<2x2x128xi32, #tpu.memory_space<vmem>>, vector<16xi32>,
        %shift_right_arithmetic3A_434 = arith.constant 1 : i32
        %shift_right_arithmetic3A_435 = vector.broadcast %shift_right_arithmetic3A_434 : i32 to vector<16xi32>
        %shift_right_arithmetic3A_436 = arith.shrsi %get3A_433, %shift_right_arithmetic3A_435 : vector<16xi32>
        %swap3A_437 = arith.constant 0 : i32
        %swap3A_438 = arith.constant 0 : i32
        %swap3A_439 = arith.index_cast %swap3A_437 : i32 to index
        %swap3A_440 = arith.index_cast %swap3A_438 : i32 to index
        %swap3A_441 = arith.constant 80 : index
        %swap3A_442 = tpu.vector_load %arg6[%swap3A_439, %swap3A_440, %swap3A_441] {strides = array<i32>} : memref<2x2x128xi32, #tpu.memory_space<vmem>>, vector<16xi32>,
        tpu.vector_store %arg6[%swap3A_439, %swap3A_440, %swap3A_441], %shift_right_arithmetic3A_436 {strides = array<i32>} : memref<2x2x128xi32, #tpu.memory_space<vmem>>, vector<16xi32>,
        %get3A_443 = arith.constant 0 : i32
        %get3A_444 = arith.constant 0 : i32
        %get3A_445 = arith.index_cast %get3A_443 : i32 to index
        %get3A_446 = arith.index_cast %get3A_444 : i32 to index
        %get3A_447 = arith.constant 96 : index
        %get3A_448 = tpu.vector_load %arg5[%get3A_445, %get3A_446, %get3A_447] {strides = array<i32>} : memref<2x2x128xi32, #tpu.memory_space<vmem>>, vector<16xi32>,
        %shift_right_arithmetic3A_449 = arith.constant 1 : i32
        %shift_right_arithmetic3A_450 = vector.broadcast %shift_right_arithmetic3A_449 : i32 to vector<16xi32>
        %shift_right_arithmetic3A_451 = arith.shrsi %get3A_448, %shift_right_arithmetic3A_450 : vector<16xi32>
        %swap3A_452 = arith.constant 0 : i32
        %swap3A_453 = arith.constant 0 : i32
        %swap3A_454 = arith.index_cast %swap3A_452 : i32 to index
        %swap3A_455 = arith.index_cast %swap3A_453 : i32 to index
        %swap3A_456 = arith.constant 96 : index
        %swap3A_457 = tpu.vector_load %arg6[%swap3A_454, %swap3A_455, %swap3A_456] {strides = array<i32>} : memref<2x2x128xi32, #tpu.memory_space<vmem>>, vector<16xi32>,
        tpu.vector_store %arg6[%swap3A_454, %swap3A_455, %swap3A_456], %shift_right_arithmetic3A_451 {strides = array<i32>} : memref<2x2x128xi32, #tpu.memory_space<vmem>>, vector<16xi32>,
        %get3A_458 = arith.constant 0 : i32
        %get3A_459 = arith.constant 0 : i32
        %get3A_460 = arith.index_cast %get3A_458 : i32 to index
        %get3A_461 = arith.index_cast %get3A_459 : i32 to index
        %get3A_462 = arith.constant 112 : index
        %get3A_463 = tpu.vector_load %arg5[%get3A_460, %get3A_461, %get3A_462] {strides = array<i32>} : memref<2x2x128xi32, #tpu.memory_space<vmem>>, vector<16xi32>,
        %shift_right_arithmetic3A_464 = arith.constant 1 : i32
        %shift_right_arithmetic3A_465 = vector.broadcast %shift_right_arithmetic3A_464 : i32 to vector<16xi32>
        %shift_right_arithmetic3A_466 = arith.shrsi %get3A_463, %shift_right_arithmetic3A_465 : vector<16xi32>
        %swap3A_467 = arith.constant 0 : i32
        %swap3A_468 = arith.constant 0 : i32
        %swap3A_469 = arith.index_cast %swap3A_467 : i32 to index
        %swap3A_470 = arith.index_cast %swap3A_468 : i32 to index
        %swap3A_471 = arith.constant 112 : index
        %swap3A_472 = tpu.vector_load %arg6[%swap3A_469, %swap3A_470, %swap3A_471] {strides = array<i32>} : memref<2x2x128xi32, #tpu.memory_space<vmem>>, vector<16xi32>,
        tpu.vector_store %arg6[%swap3A_469, %swap3A_470, %swap3A_471], %shift_right_arithmetic3A_466 {strides = array<i32>} : memref<2x2x128xi32, #tpu.memory_space<vmem>>, vector<16xi32>,
        %get3A_473 = arith.constant 0 : i32
        %get3A_474 = arith.constant 1 : i32
        %get3A_475 = arith.index_cast %get3A_473 : i32 to index
        %get3A_476 = arith.index_cast %get3A_474 : i32 to index
        %get3A_477 = arith.constant 0 : index
        %get3A_478 = tpu.vector_load %arg5[%get3A_475, %get3A_476, %get3A_477] {strides = array<i32>} : memref<2x2x128xi32, #tpu.memory_space<vmem>>, vector<16xi32>,
        %shift_right_arithmetic3A_479 = arith.constant 1 : i32
        %shift_right_arithmetic3A_480 = vector.broadcast %shift_right_arithmetic3A_479 : i32 to vector<16xi32>
        %shift_right_arithmetic3A_481 = arith.shrsi %get3A_478, %shift_right_arithmetic3A_480 : vector<16xi32>
        %swap3A_482 = arith.constant 0 : i32
        %swap3A_483 = arith.constant 1 : i32
        %swap3A_484 = arith.index_cast %swap3A_482 : i32 to index
        %swap3A_485 = arith.index_cast %swap3A_483 : i32 to index
        %swap3A_486 = arith.constant 0 : index
        %swap3A_487 = tpu.vector_load %arg6[%swap3A_484, %swap3A_485, %swap3A_486] {strides = array<i32>} : memref<2x2x128xi32, #tpu.memory_space<vmem>>, vector<16xi32>,
        tpu.vector_store %arg6[%swap3A_484, %swap3A_485, %swap3A_486], %shift_right_arithmetic3A_481 {strides = array<i32>} : memref<2x2x128xi32, #tpu.memory_space<vmem>>, vector<16xi32>,
        %get3A_488 = arith.constant 0 : i32
        %get3A_489 = arith.constant 1 : i32
        %get3A_490 = arith.index_cast %get3A_488 : i32 to index
        %get3A_491 = arith.index_cast %get3A_489 : i32 to index
        %get3A_492 = arith.constant 16 : index
        %get3A_493 = tpu.vector_load %arg5[%get3A_490, %get3A_491, %get3A_492] {strides = array<i32>} : memref<2x2x128xi32, #tpu.memory_space<vmem>>, vector<16xi32>,
        %shift_right_arithmetic3A_494 = arith.constant 1 : i32
        %shift_right_arithmetic3A_495 = vector.broadcast %shift_right_arithmetic3A_494 : i32 to vector<16xi32>
        %shift_right_arithmetic3A_496 = arith.shrsi %get3A_493, %shift_right_arithmetic3A_495 : vector<16xi32>
        %swap3A_497 = arith.constant 0 : i32
        %swap3A_498 = arith.constant 1 : i32
        %swap3A_499 = arith.index_cast %swap3A_497 : i32 to index
        %swap3A_500 = arith.index_cast %swap3A_498 : i32 to index
        %swap3A_501 = arith.constant 16 : index
        %swap3A_502 = tpu.vector_load %arg6[%swap3A_499, %swap3A_500, %swap3A_501] {strides = array<i32>} : memref<2x2x128xi32, #tpu.memory_space<vmem>>, vector<16xi32>,
        tpu.vector_store %arg6[%swap3A_499, %swap3A_500, %swap3A_501], %shift_right_arithmetic3A_496 {strides = array<i32>} : memref<2x2x128xi32, #tpu.memory_space<vmem>>, vector<16xi32>,
        %get3A_503 = arith.constant 0 : i32
        %get3A_504 = arith.constant 1 : i32
        %get3A_505 = arith.index_cast %get3A_503 : i32 to index
        %get3A_506 = arith.index_cast %get3A_504 : i32 to index
        %get3A_507 = arith.constant 32 : index
        %get3A_508 = tpu.vector_load %arg5[%get3A_505, %get3A_506, %get3A_507] {strides = array<i32>} : memref<2x2x128xi32, #tpu.memory_space<vmem>>, vector<16xi32>,
        %shift_right_arithmetic3A_509 = arith.constant 1 : i32
        %shift_right_arithmetic3A_510 = vector.broadcast %shift_right_arithmetic3A_509 : i32 to vector<16xi32>
        %shift_right_arithmetic3A_511 = arith.shrsi %get3A_508, %shift_right_arithmetic3A_510 : vector<16xi32>
        %swap3A_512 = arith.constant 0 : i32
        %swap3A_513 = arith.constant 1 : i32
        %swap3A_514 = arith.index_cast %swap3A_512 : i32 to index
        %swap3A_515 = arith.index_cast %swap3A_513 : i32 to index
        %swap3A_516 = arith.constant 32 : index
        %swap3A_517 = tpu.vector_load %arg6[%swap3A_514, %swap3A_515, %swap3A_516] {strides = array<i32>} : memref<2x2x128xi32, #tpu.memory_space<vmem>>, vector<16xi32>,
        tpu.vector_store %arg6[%swap3A_514, %swap3A_515, %swap3A_516], %shift_right_arithmetic3A_511 {strides = array<i32>} : memref<2x2x128xi32, #tpu.memory_space<vmem>>, vector<16xi32>,
        %get3A_518 = arith.constant 0 : i32
        %get3A_519 = arith.constant 1 : i32
        %get3A_520 = arith.index_cast %get3A_518 : i32 to index
        %get3A_521 = arith.index_cast %get3A_519 : i32 to index
        %get3A_522 = arith.constant 48 : index
        %get3A_523 = tpu.vector_load %arg5[%get3A_520, %get3A_521, %get3A_522] {strides = array<i32>} : memref<2x2x128xi32, #tpu.memory_space<vmem>>, vector<16xi32>,
        %shift_right_arithmetic3A_524 = arith.constant 1 : i32
        %shift_right_arithmetic3A_525 = vector.broadcast %shift_right_arithmetic3A_524 : i32 to vector<16xi32>
        %shift_right_arithmetic3A_526 = arith.shrsi %get3A_523, %shift_right_arithmetic3A_525 : vector<16xi32>
        %swap3A_527 = arith.constant 0 : i32
        %swap3A_528 = arith.constant 1 : i32
        %swap3A_529 = arith.index_cast %swap3A_527 : i32 to index
        %swap3A_530 = arith.index_cast %swap3A_528 : i32 to index
        %swap3A_531 = arith.constant 48 : index
        %swap3A_532 = tpu.vector_load %arg6[%swap3A_529, %swap3A_530, %swap3A_531] {strides = array<i32>} : memref<2x2x128xi32, #tpu.memory_space<vmem>>, vector<16xi32>,
        tpu.vector_store %arg6[%swap3A_529, %swap3A_530, %swap3A_531], %shift_right_arithmetic3A_526 {strides = array<i32>} : memref<2x2x128xi32, #tpu.memory_space<vmem>>, vector<16xi32>,
        %get3A_533 = arith.constant 0 : i32
        %get3A_534 = arith.constant 1 : i32
        %get3A_535 = arith.index_cast %get3A_533 : i32 to index
        %get3A_536 = arith.index_cast %get3A_534 : i32 to index
        %get3A_537 = arith.constant 64 : index
        %get3A_538 = tpu.vector_load %arg5[%get3A_535, %get3A_536, %get3A_537] {strides = array<i32>} : memref<2x2x128xi32, #tpu.memory_space<vmem>>, vector<16xi32>,
        %shift_right_arithmetic3A_539 = arith.constant 1 : i32
        %shift_right_arithmetic3A_540 = vector.broadcast %shift_right_arithmetic3A_539 : i32 to vector<16xi32>
        %shift_right_arithmetic3A_541 = arith.shrsi %get3A_538, %shift_right_arithmetic3A_540 : vector<16xi32>
        %swap3A_542 = arith.constant 0 : i32
        %swap3A_543 = arith.constant 1 : i32
        %swap3A_544 = arith.index_cast %swap3A_542 : i32 to index
        %swap3A_545 = arith.index_cast %swap3A_543 : i32 to index
        %swap3A_546 = arith.constant 64 : index
        %swap3A_547 = tpu.vector_load %arg6[%swap3A_544, %swap3A_545, %swap3A_546] {strides = array<i32>} : memref<2x2x128xi32, #tpu.memory_space<vmem>>, vector<16xi32>,
        tpu.vector_store %arg6[%swap3A_544, %swap3A_545, %swap3A_546], %shift_right_arithmetic3A_541 {strides = array<i32>} : memref<2x2x128xi32, #tpu.memory_space<vmem>>, vector<16xi32>,
        %get3A_548 = arith.constant 0 : i32
        %get3A_549 = arith.constant 1 : i32
        %get3A_550 = arith.index_cast %get3A_548 : i32 to index
        %get3A_551 = arith.index_cast %get3A_549 : i32 to index
        %get3A_552 = arith.constant 80 : index
        %get3A_553 = tpu.vector_load %arg5[%get3A_550, %get3A_551, %get3A_552] {strides = array<i32>} : memref<2x2x128xi32, #tpu.memory_space<vmem>>, vector<16xi32>,
        %shift_right_arithmetic3A_554 = arith.constant 1 : i32
        %shift_right_arithmetic3A_555 = vector.broadcast %shift_right_arithmetic3A_554 : i32 to vector<16xi32>
        %shift_right_arithmetic3A_556 = arith.shrsi %get3A_553, %shift_right_arithmetic3A_555 : vector<16xi32>
        %swap3A_557 = arith.constant 0 : i32
        %swap3A_558 = arith.constant 1 : i32
        %swap3A_559 = arith.index_cast %swap3A_557 : i32 to index
        %swap3A_560 = arith.index_cast %swap3A_558 : i32 to index
        %swap3A_561 = arith.constant 80 : index
        %swap3A_562 = tpu.vector_load %arg6[%swap3A_559, %swap3A_560, %swap3A_561] {strides = array<i32>} : memref<2x2x128xi32, #tpu.memory_space<vmem>>, vector<16xi32>,
        tpu.vector_store %arg6[%swap3A_559, %swap3A_560, %swap3A_561], %shift_right_arithmetic3A_556 {strides = array<i32>} : memref<2x2x128xi32, #tpu.memory_space<vmem>>, vector<16xi32>,
        %get3A_563 = arith.constant 0 : i32
        %get3A_564 = arith.constant 1 : i32
        %get3A_565 = arith.index_cast %get3A_563 : i32 to index
        %get3A_566 = arith.index_cast %get3A_564 : i32 to index
        %get3A_567 = arith.constant 96 : index
        %get3A_568 = tpu.vector_load %arg5[%get3A_565, %get3A_566, %get3A_567] {strides = array<i32>} : memref<2x2x128xi32, #tpu.memory_space<vmem>>, vector<16xi32>,
        %shift_right_arithmetic3A_569 = arith.constant 1 : i32
        %shift_right_arithmetic3A_570 = vector.broadcast %shift_right_arithmetic3A_569 : i32 to vector<16xi32>
        %shift_right_arithmetic3A_571 = arith.shrsi %get3A_568, %shift_right_arithmetic3A_570 : vector<16xi32>
        %swap3A_572 = arith.constant 0 : i32
        %swap3A_573 = arith.constant 1 : i32
        %swap3A_574 = arith.index_cast %swap3A_572 : i32 to index
        %swap3A_575 = arith.index_cast %swap3A_573 : i32 to index
        %swap3A_576 = arith.constant 96 : index
        %swap3A_577 = tpu.vector_load %arg6[%swap3A_574, %swap3A_575, %swap3A_576] {strides = array<i32>} : memref<2x2x128xi32, #tpu.memory_space<vmem>>, vector<16xi32>,
        tpu.vector_store %arg6[%swap3A_574, %swap3A_575, %swap3A_576], %shift_right_arithmetic3A_571 {strides = array<i32>} : memref<2x2x128xi32, #tpu.memory_space<vmem>>, vector<16xi32>,
        %get3A_578 = arith.constant 0 : i32
        %get3A_579 = arith.constant 1 : i32
        %get3A_580 = arith.index_cast %get3A_578 : i32 to index
        %get3A_581 = arith.index_cast %get3A_579 : i32 to index
        %get3A_582 = arith.constant 112 : index
        %get3A_583 = tpu.vector_load %arg5[%get3A_580, %get3A_581, %get3A_582] {strides = array<i32>} : memref<2x2x128xi32, #tpu.memory_space<vmem>>, vector<16xi32>,
        %shift_right_arithmetic3A_584 = arith.constant 1 : i32
        %shift_right_arithmetic3A_585 = vector.broadcast %shift_right_arithmetic3A_584 : i32 to vector<16xi32>
        %shift_right_arithmetic3A_586 = arith.shrsi %get3A_583, %shift_right_arithmetic3A_585 : vector<16xi32>
        %swap3A_587 = arith.constant 0 : i32
        %swap3A_588 = arith.constant 1 : i32
        %swap3A_589 = arith.index_cast %swap3A_587 : i32 to index
        %swap3A_590 = arith.index_cast %swap3A_588 : i32 to index
        %swap3A_591 = arith.constant 112 : index
        %swap3A_592 = tpu.vector_load %arg6[%swap3A_589, %swap3A_590, %swap3A_591] {strides = array<i32>} : memref<2x2x128xi32, #tpu.memory_space<vmem>>, vector<16xi32>,
        tpu.vector_store %arg6[%swap3A_589, %swap3A_590, %swap3A_591], %shift_right_arithmetic3A_586 {strides = array<i32>} : memref<2x2x128xi32, #tpu.memory_space<vmem>>, vector<16xi32>,
        %dma_start3A_593 = arith.constant 0 : i32
        %dma_start3A_594 = arith.constant 0 : i32
        %dma_start3A_595 = arith.constant 0 : i32
        %dma_start3A_596 = arith.constant 0 : i32
        %dma_start3A_597 = tpu.memref_slice %arg7[%dma_start3A_595, %dma_start3A_596] : memref<256x128xf32, #tpu.memory_space<vmem>> -> memref<128x128xf32, #tpu.memory_space<vmem>>
        %dma_start3A_598 = arith.constant 0 : i32
        %dma_start3A_599 = tpu.memref_slice %arg6[%dma_start3A_593, %dma_start3A_594, %dma_start3A_598] : memref<2x2x128xi32, #tpu.memory_space<vmem>> -> memref<1x1x128xi32, #tpu.memory_space<vmem>>
        %dma_start3A_600 = tpu.memref_squeeze %dma_start3A_599 : memref<1x1x128xi32, #tpu.memory_space<vmem>> -> memref<128xi32, #tpu.memory_space<vmem>>
        %dma_start3A_601 = arith.constant 0 : i32
        %dma_start3A_602 = arith.constant 0 : i32
        %dma_start3A_603 = tpu.memref_slice %arg3[%dma_start3A_601, %dma_start3A_602] : memref<500000x128xf32, #tpu.memory_space<hbm>> -> memref<500000x128xf32, #tpu.memory_space<hbm>>
        tpu.enqueue_indirect_dma source(%dma_start3A_603 : memref<500000x128xf32, #tpu.memory_space<hbm>>) target(%dma_start3A_597 : memref<128x128xf32, #tpu.memory_space<vmem>>) offsets(%dma_start3A_600 : memref<128xi32, #tpu.memory_space<vmem>>) semaphore(%arg10 : memref<!tpu.dma_semaphore, #tpu.memory_space<semaphore_mem>>)
        %dma_start3A_604 = arith.constant 0 : i32
        %dma_start3A_605 = arith.constant 1 : i32
        %dma_start3A_606 = arith.constant 128 : i32
        %dma_start3A_607 = arith.constant 0 : i32
        %dma_start3A_608 = tpu.memref_slice %arg7[%dma_start3A_606, %dma_start3A_607] : memref<256x128xf32, #tpu.memory_space<vmem>> -> memref<128x128xf32, #tpu.memory_space<vmem>>
        %dma_start3A_609 = arith.constant 0 : i32
        %dma_start3A_610 = tpu.memref_slice %arg6[%dma_start3A_604, %dma_start3A_605, %dma_start3A_609] : memref<2x2x128xi32, #tpu.memory_space<vmem>> -> memref<1x1x128xi32, #tpu.memory_space<vmem>>
        %dma_start3A_611 = tpu.memref_squeeze %dma_start3A_610 : memref<1x1x128xi32, #tpu.memory_space<vmem>> -> memref<128xi32, #tpu.memory_space<vmem>>
        %dma_start3A_612 = arith.constant 0 : i32
        %dma_start3A_613 = arith.constant 0 : i32
        %dma_start3A_614 = tpu.memref_slice %arg3[%dma_start3A_612, %dma_start3A_613] : memref<500000x128xf32, #tpu.memory_space<hbm>> -> memref<500000x128xf32, #tpu.memory_space<hbm>>
        tpu.enqueue_indirect_dma source(%dma_start3A_614 : memref<500000x128xf32, #tpu.memory_space<hbm>>) target(%dma_start3A_608 : memref<128x128xf32, #tpu.memory_space<vmem>>) offsets(%dma_start3A_611 : memref<128xi32, #tpu.memory_space<vmem>>) semaphore(%arg10 : memref<!tpu.dma_semaphore, #tpu.memory_space<semaphore_mem>>)
      } else {
      }
      %parallel_loop3A_340 = arith.constant 0 : i32
      %parallel_loop3A_341 = arith.constant 256 : i32
      %parallel_loop3A_342 = arith.constant 1 : i32
      scf.for %parallel_loop3A_347 = %parallel_loop3A_340 to %parallel_loop3A_341 step %parallel_loop3A_342  : i32 {
        %parallel_loop3A_348 = vector.broadcast %parallel_loop3A_347 : i32 to vector<16xi32>
        %parallel_loop3A_349 = arith.constant 1 : i32
        %parallel_loop3A_350 = vector.broadcast %parallel_loop3A_349 : i32 to vector<16xi32>
        %parallel_loop3A_351 = arith.constant 7 : i32
        %parallel_loop3A_352 = vector.broadcast %parallel_loop3A_351 : i32 to vector<16xi32>
        %parallel_loop3A_353 = arith.shrsi %parallel_loop3A_348, %parallel_loop3A_352 : vector<16xi32>
        %parallel_loop3A_354 = arith.constant 127 : i32
        %parallel_loop3A_355 = arith.andi %parallel_loop3A_347, %parallel_loop3A_354 : i32
        %parallel_loop3A_356 = vector.broadcast %parallel_loop3A_355 : i32 to vector<16xi32>
        %parallel_loop3A_357 = tpu.vector_load_idx %arg5[%parallel_loop3A_350, %parallel_loop3A_353, %parallel_loop3A_356] : memref<2x2x128xi32, #tpu.memory_space<vmem>>[vector<16xi32>, vector<16xi32>, vector<16xi32>], vector<16xi32>,
        %parallel_loop3A_358 = arith.constant 1 : i32
        %parallel_loop3A_359 = vector.broadcast %parallel_loop3A_358 : i32 to vector<16xi32>
        %parallel_loop3A_360 = arith.andi %parallel_loop3A_357, %parallel_loop3A_359 : vector<16xi32>
        %parallel_loop3A_361 = arith.constant 6 : i32
        %parallel_loop3A_362 = vector.broadcast %parallel_loop3A_361 : i32 to vector<16xi32>
        %parallel_loop3A_363 = arith.shli %parallel_loop3A_360, %parallel_loop3A_362 : vector<16xi32>
        %parallel_loop3A_364 = arith.constant 0 : i32
        %parallel_loop3A_365 = vector.broadcast %parallel_loop3A_364 : i32 to vector<16xi32>
        %parallel_loop3A_366 = arith.addi %parallel_loop3A_363, %parallel_loop3A_365 : vector<16xi32>
        %parallel_loop3A_367 = arith.addi %parallel_loop3A_366, %iota3A : vector<16xi32>
        %parallel_loop3A_368 = tpu.vector_load_idx %arg8[%parallel_loop3A_348, %parallel_loop3A_367] : memref<256x128xf32, #tpu.memory_space<vmem>>[vector<16xi32>, vector<16xi32>], vector<16xf32>,
        %parallel_loop3A_369 = arith.constant 8.000000e+00 : f32
        %parallel_loop3A_370 = vector.broadcast %parallel_loop3A_369 : f32 to vector<16xf32>
        %parallel_loop3A_371 = arith.mulf %parallel_loop3A_368, %parallel_loop3A_370 : vector<16xf32>
        %parallel_loop3A_372 = arith.index_cast %parallel_loop3A_347 : i32 to index
        %parallel_loop3A_373 = arith.constant 0 : index
        %parallel_loop3A_374 = tpu.vector_load %arg9[%parallel_loop3A_372, %parallel_loop3A_373] {strides = array<i32>} : memref<256x64xf32, #tpu.memory_space<vmem>>, vector<16xf32>,
        tpu.vector_store %arg9[%parallel_loop3A_372, %parallel_loop3A_373], %parallel_loop3A_371 {strides = array<i32>} : memref<256x64xf32, #tpu.memory_space<vmem>>, vector<16xf32>,
        %parallel_loop3A_375 = arith.constant 16 : i32
        %parallel_loop3A_376 = vector.broadcast %parallel_loop3A_375 : i32 to vector<16xi32>
        %parallel_loop3A_377 = arith.addi %parallel_loop3A_363, %parallel_loop3A_376 : vector<16xi32>
        %parallel_loop3A_378 = arith.addi %parallel_loop3A_377, %iota3A : vector<16xi32>
        %parallel_loop3A_379 = tpu.vector_load_idx %arg8[%parallel_loop3A_348, %parallel_loop3A_378] : memref<256x128xf32, #tpu.memory_space<vmem>>[vector<16xi32>, vector<16xi32>], vector<16xf32>,
        %parallel_loop3A_380 = arith.constant 8.000000e+00 : f32
        %parallel_loop3A_381 = vector.broadcast %parallel_loop3A_380 : f32 to vector<16xf32>
        %parallel_loop3A_382 = arith.mulf %parallel_loop3A_379, %parallel_loop3A_381 : vector<16xf32>
        %parallel_loop3A_383 = arith.index_cast %parallel_loop3A_347 : i32 to index
        %parallel_loop3A_384 = arith.constant 16 : index
        %parallel_loop3A_385 = tpu.vector_load %arg9[%parallel_loop3A_383, %parallel_loop3A_384] {strides = array<i32>} : memref<256x64xf32, #tpu.memory_space<vmem>>, vector<16xf32>,
        tpu.vector_store %arg9[%parallel_loop3A_383, %parallel_loop3A_384], %parallel_loop3A_382 {strides = array<i32>} : memref<256x64xf32, #tpu.memory_space<vmem>>, vector<16xf32>,
        %parallel_loop3A_386 = arith.constant 32 : i32
        %parallel_loop3A_387 = vector.broadcast %parallel_loop3A_386 : i32 to vector<16xi32>
        %parallel_loop3A_388 = arith.addi %parallel_loop3A_363, %parallel_loop3A_387 : vector<16xi32>
        %parallel_loop3A_389 = arith.addi %parallel_loop3A_388, %iota3A : vector<16xi32>
        %parallel_loop3A_390 = tpu.vector_load_idx %arg8[%parallel_loop3A_348, %parallel_loop3A_389] : memref<256x128xf32, #tpu.memory_space<vmem>>[vector<16xi32>, vector<16xi32>], vector<16xf32>,
        %parallel_loop3A_391 = arith.constant 8.000000e+00 : f32
        %parallel_loop3A_392 = vector.broadcast %parallel_loop3A_391 : f32 to vector<16xf32>
        %parallel_loop3A_393 = arith.mulf %parallel_loop3A_390, %parallel_loop3A_392 : vector<16xf32>
        %parallel_loop3A_394 = arith.index_cast %parallel_loop3A_347 : i32 to index
        %parallel_loop3A_395 = arith.constant 32 : index
        %parallel_loop3A_396 = tpu.vector_load %arg9[%parallel_loop3A_394, %parallel_loop3A_395] {strides = array<i32>} : memref<256x64xf32, #tpu.memory_space<vmem>>, vector<16xf32>,
        tpu.vector_store %arg9[%parallel_loop3A_394, %parallel_loop3A_395], %parallel_loop3A_393 {strides = array<i32>} : memref<256x64xf32, #tpu.memory_space<vmem>>, vector<16xf32>,
        %parallel_loop3A_397 = arith.constant 48 : i32
        %parallel_loop3A_398 = vector.broadcast %parallel_loop3A_397 : i32 to vector<16xi32>
        %parallel_loop3A_399 = arith.addi %parallel_loop3A_363, %parallel_loop3A_398 : vector<16xi32>
        %parallel_loop3A_400 = arith.addi %parallel_loop3A_399, %iota3A : vector<16xi32>
        %parallel_loop3A_401 = tpu.vector_load_idx %arg8[%parallel_loop3A_348, %parallel_loop3A_400] : memref<256x128xf32, #tpu.memory_space<vmem>>[vector<16xi32>, vector<16xi32>], vector<16xf32>,
        %parallel_loop3A_402 = arith.constant 8.000000e+00 : f32
        %parallel_loop3A_403 = vector.broadcast %parallel_loop3A_402 : f32 to vector<16xf32>
        %parallel_loop3A_404 = arith.mulf %parallel_loop3A_401, %parallel_loop3A_403 : vector<16xf32>
        %parallel_loop3A_405 = arith.index_cast %parallel_loop3A_347 : i32 to index
        %parallel_loop3A_406 = arith.constant 48 : index
        %parallel_loop3A_407 = tpu.vector_load %arg9[%parallel_loop3A_405, %parallel_loop3A_406] {strides = array<i32>} : memref<256x64xf32, #tpu.memory_space<vmem>>, vector<16xf32>,
        tpu.vector_store %arg9[%parallel_loop3A_405, %parallel_loop3A_406], %parallel_loop3A_404 {strides = array<i32>} : memref<256x64xf32, #tpu.memory_space<vmem>>, vector<16xf32>,
      } {sc.loop_unroll_factor = 4 : i64, sc.parallel_access}
      %mul3A_343 = arith.constant 256 : i32
      %mul3A_344 = arith.muli %add3A_310, %mul3A_343 : i32
      %add3A_345 = arith.addi %mul3A_4, %mul3A_344 : i32
      "tpu.region"() ({
        %run_scoped3A_347 = tpu.sem_alloc : memref<!tpu.dma_semaphore, #tpu.memory_space<semaphore_mem>>
        %dma_start3A_348 = arith.constant 0 : i32
        %dma_start3A_349 = tpu.memref_slice %arg4[%add3A_345, %dma_start3A_348] : memref<819200x64xf32, #tpu.memory_space<hbm>> -> memref<256x64xf32, #tpu.memory_space<hbm>>
        %dma_start3A_350 = arith.constant 0 : i32
        %dma_start3A_351 = tpu.memref_slice %arg4[%add3A_345, %dma_start3A_350] : memref<819200x64xf32, #tpu.memory_space<hbm>> -> memref<256x64xf32, #tpu.memory_space<hbm>>
        tpu.enqueue_dma source(%arg9 : memref<256x64xf32, #tpu.memory_space<vmem>>) target(%dma_start3A_351 : memref<256x64xf32, #tpu.memory_space<hbm>>) target_semaphore(%run_scoped3A_347 : memref<!tpu.dma_semaphore, #tpu.memory_space<semaphore_mem>>)
        %dma_wait3A_352 = arith.constant 0 : i32
        %dma_wait3A_353 = tpu.memref_slice %arg4[%add3A_345, %dma_wait3A_352] : memref<819200x64xf32, #tpu.memory_space<hbm>> -> memref<256x64xf32, #tpu.memory_space<hbm>>
        %dma_wait3A_354 = arith.constant 0 : i32
        %dma_wait3A_355 = tpu.memref_slice %arg4[%add3A_345, %dma_wait3A_354] : memref<819200x64xf32, #tpu.memory_space<hbm>> -> memref<256x64xf32, #tpu.memory_space<hbm>>
        tpu.wait_dma2 semaphore(%run_scoped3A_347 : memref<!tpu.dma_semaphore, #tpu.memory_space<semaphore_mem>>) src(%arg9 : memref<256x64xf32, #tpu.memory_space<vmem>>) dst(%dma_wait3A_355 : memref<256x64xf32, #tpu.memory_space<hbm>>)
        tpu.yield
      }) : () -> ()
      %scan3A_346 = arith.constant 0 : i32
      scf.yield %scan3A_346 : i32
    }
    %scan3A_270 = arith.constant 50 : i32
    return
  }
}

</mosaic_0001>

<sc_bundles>
// kernel: kernel.3.cloned.1.call-start
scs
__scs_entry_jumppad:
0x0: {  	(pc) =	sbr.rel $0x88, $3  }
0x1: {  	(tag) =	ssettag $0x0;
	lr =	simm.s32 $0x1  }
0x2: {  	[smem:$0x3F9F] =	sst lr;
	_ =	strace $0xD0000000  }
0x3: {  	_ = 	snop  }
0x4: {  	_ = 	snop  }
0x5: {  	_ = 	snop  }
0x6: {  	_ = 	snop  }
0x7: {  	_ = 	snop  }
__scs_overlays_trampoline_lowered:
0x8: {  	[smem:$0x3FAE] =	sst s0  }
0x9: {  	[smem:$0x3FAF] =	sst s1  }
0xa: {  	[smem:$0x3FB0] =	sst s2  }
0xb: {  	[smem:$0x3FB1] =	sst s3  }
0xc: {  	[smem:$0x3FB2] =	sst s4  }
0xd: {  	[smem:$0x3FB3] =	sst s5  }
0xe: {  	[smem:$0x3FB4] =	sst s6  }
0xf: {  	[smem:$0x3FB5] =	sst s7  }
0x10: {  	[smem:$0x3FB6] =	sst s8  }
0x11: {  	[smem:$0x3FB7] =	sst s9;
	s0 =	simm.s32 @!p0 $0x0  }
0x12: {  	s1 =	sld [smem:$0x3F9D];
	s0 =	simm.s32 @p0 $0x1  }
0x13: {  	[smem:$0x3FB8] =	sst s0;
	s0 =	simm.s32 @!p1 $0x0  }
0x14: {  	s2 =	sld [smem:$0x3F9C];
	s0 =	simm.s32 @p1 $0x1  }
0x15: {  	[smem:$0x3FB9] =	sst s0;
	s0 =	simm.s32 @!p2 $0x0  }
0x16: {  	s3 =	sld [smem:$0x3FDB];
	s0 =	simm.s32 @p2 $0x1  }
0x17: {  	s4 =	simm.s32 $0x1BF5;
	[smem:$0x3FBB] =	sst s0  }
0x18: {  	s0 =	sld [smem:$0x3F9E];
	_ =	swait.ge [sflag:s4], $0x0  }
0x19: {  	s7 =	sld [smem:$0x3F9F]  }
0x1a: {  	s8 =	sadd.s32 $0xFFFFE003, lr  }
0x1b: {  	s9 =	sadd.s32 $0xFFFFFEF7, lr;
	s5 =	simm.s32 $0xFFFFFFFF;
	p2 =	slt.u32 s8, $0xFFFFF086  }
0x1c: {  	p1 =	slt.u32 s9, $0xF7A;
	s5 =	simm.s32 @!p2 $0x0  }
0x1d: {  	s5 =	simm.s32 @p1 $0x1;
	p0 =	seq.s32 s7, s2  }
0x1e: {  	s7 =	smul.u32 @!p0 $0xF7A, s2;
	p2 =	seq.s32 @!p0 s5, $0x0  }
0x1f: {  	s9 =	smul.u32 $0xF7A, s1;
	s8 =	simm.s32 @!p0 $0x1BF5;
	p2 =	por !p2, p0  }
0x20: {  	[sflag:s8] =	ssyncset.s32 @!p0 $0xFFFFF086;
	s6 =	sadd.s32 @!p0 s3, s7;
	s7 =	simm.s32 @!p0 $0x108  }
0x21: {  	s3 =	sadd.s32 s3, s9;
	s6 =	sadd.s32 @!p0 $0x88, s6;
	s7 =	simm.s32 @p2 $0x1082  }
0x22: {  	[simem:s7], [sflag:s8] =	dma.local @!p0 [hbm:s6], $0xF7A  }
0x23: {  	s9 =	sor.u32 $0xD0000000, s2;
	s6 =	simm.s32 $0x108;
	_ =	swait.ge @!p0 [sflag:s8], $0x0  }
0x24: {  	s3 =	sadd.s32 $0x88, s3;
	s6 =	simm.s32 @!p1 $0x1082;
	[sflag:s4] =	ssyncset.s32 $0xFFFFF086  }
0x25: {  	[simem:s6], [sflag:s4] =	dma.local [hbm:s3], $0xF7A  }
0x26: {  	[smem:$0x3F9F] =	sst s1;
	(tag) =	ssettag s2;
	_ =	strace s9  }
0x27: {  	s1 =	sld [smem:$0x3FAF]  }
0x28: {  	s2 =	sld [smem:$0x3FB0]  }
0x29: {  	s4 =	sld [smem:$0x3FB2]  }
0x2a: {  	p0 =	seq.s32 s5, $0x0;
	s5 =	sld [smem:$0x3FB3]  }
0x2b: {  	s6 =	sld [smem:$0x3FB4]  }
0x2c: {  	s7 =	sld [smem:$0x3FB5]  }
0x2d: {  	s3 =	simm.s32 $0x108;
	s8 =	sld [smem:$0x3FB6]  }
0x2e: {  	s3 =	simm.s32 @!p0 $0x1082;
	s9 =	sld [smem:$0x3FB7]  }
0x2f: {  	lr =	sadd.s32 s0, s3;
	s0 =	sld [smem:$0x3FAE]  }
0x30: {  	s3 =	sld [smem:$0x3FB1]  }
0x31: {  	[smem:$0x3FBA] =	sst s10  }
0x32: {  	s10 =	sld [smem:$0x3FB8];
	_ =	sdelay $0x3  }
0x33: {  	p0 =	seq.s32 s10, $0x1;
	s10 =	sld [smem:$0x3FBA];
	_ =	sdelay $0x3  }
0x34: {  	[smem:$0x3FBA] =	sst s10  }
0x35: {  	s10 =	sld [smem:$0x3FB9];
	_ =	sdelay $0x3  }
0x36: {  	p1 =	seq.s32 s10, $0x1;
	s10 =	sld [smem:$0x3FBA];
	_ =	sdelay $0x3  }
0x37: {  	[smem:$0x3FBA] =	sst s10  }
0x38: {  	s10 =	sld [smem:$0x3FBB]  }
0x39: {  	_ = 	snop;
	(pc) =	sbr.ind lr, $3  }
0x3a: {  	_ = 	snop  }
0x3b: {  	_ = 	snop  }
0x3c: {  	p2 =	seq.s32 s10, $0x1;
	s10 =	sld [smem:$0x3FBA]  }
0x3d: {  	_ =	shalt  }
0x3e: {  	_ =	shalt  }
0x3f: {  	_ =	shalt  }
0x40: {  	_ =	shalt  }
0x41: {  	_ =	shalt  }
0x42: {  	_ =	shalt  }
0x43: {  	_ =	shalt  }
0x44: {  	_ =	shalt  }
0x45: {  	_ =	shalt  }
0x46: {  	_ =	shalt  }
0x47: {  	_ =	shalt  }
0x48: {  	_ =	shalt  }
0x49: {  	_ =	shalt  }
0x4a: {  	_ =	shalt  }
0x4b: {  	_ =	shalt  }
0x4c: {  	_ =	shalt  }
0x4d: {  	_ =	shalt  }
0x4e: {  	_ =	shalt  }
0x4f: {  	_ =	shalt  }
0x50: {  	_ =	shalt  }
0x51: {  	_ =	shalt  }
0x52: {  	_ =	shalt  }
0x53: {  	_ =	shalt  }
0x54: {  	_ =	shalt  }
0x55: {  	_ =	shalt  }
0x56: {  	_ =	shalt  }
0x57: {  	_ =	shalt  }
0x58: {  	_ =	shalt  }
0x59: {  	_ =	shalt  }
0x5a: {  	_ =	shalt  }
0x5b: {  	_ =	shalt  }
0x5c: {  	_ =	shalt  }
0x5d: {  	_ =	shalt  }
0x5e: {  	_ =	shalt  }
0x5f: {  	_ =	shalt  }
0x60: {  	_ =	shalt  }
0x61: {  	_ =	shalt  }
0x62: {  	_ =	shalt  }
0x63: {  	_ =	shalt  }
0x64: {  	_ =	shalt  }
0x65: {  	_ =	shalt  }
0x66: {  	_ =	shalt  }
0x67: {  	_ =	shalt  }
0x68: {  	_ =	shalt  }
0x69: {  	_ =	shalt  }
0x6a: {  	_ =	shalt  }
0x6b: {  	_ =	shalt  }
0x6c: {  	_ =	shalt  }
0x6d: {  	_ =	shalt  }
0x6e: {  	_ =	shalt  }
0x6f: {  	_ =	shalt  }
0x70: {  	_ =	shalt  }
0x71: {  	_ =	shalt  }
0x72: {  	_ =	shalt  }
0x73: {  	_ =	shalt  }
0x74: {  	_ =	shalt  }
0x75: {  	_ =	shalt  }
0x76: {  	_ =	shalt  }
0x77: {  	_ =	shalt  }
0x78: {  	_ =	shalt  }
0x79: {  	_ =	shalt  }
0x7a: {  	_ =	shalt  }
0x7b: {  	_ =	shalt  }
0x7c: {  	_ =	shalt  }
0x7d: {  	_ =	shalt  }
0x7e: {  	_ =	shalt  }
0x7f: {  	_ =	shalt  }
0x80: {  	_ =	shalt  }
0x81: {  	_ =	shalt  }
0x82: {  	_ =	shalt  }
0x83: {  	_ =	shalt  }
0x84: {  	_ =	shalt  }
0x85: {  	_ =	shalt  }
0x86: {  	_ =	shalt  }
0x87: {  	_ =	shalt  }
.Lfunc_end0:
.L_simem_size_0:
called_computation.1_lowered:
.L_overlay_start_0:
0x88: {  	s2 =	sld [smem:$0x3FD9]  }
0x89: {  	s3 =	sld [smem:$0x3FFE];
	_ =	sdelay $0x1  }
0x8a: {  	s1 =	srdreg.scid  }
0x8b: {  	s0 =	sand.u32 $0x1, s1  }
0x8c: {  	s17 =	sshll.u32 s0, $0xA;
	s2 =	sadd.s32 s3, s2  }
0x8d: {  	s2 =	sadd.s32 s2, s17  }
0x8e: {  	[smem:$0x3FC6] =	sst s2  }
0x8f: {  	_ = 	snop  }
0x90: {  	s2 =	sld [smem:$0x3FD0];
	(tm) =	ssettm $0x1  }
0x91: {  	s18 =	sld [smem:$0x3FFB];
	_ =	sdelay $0x3  }
0x92: {  	_ =	strace s18  }
0x93: {  	s3 =	sld [smem:$0x3FFC];
	_ =	sdelay $0x3  }
0x94: {  	_ =	strace s3  }
0x95: {  	s3 =	sld [smem:$0x3FFD];
	_ =	sdelay $0x3  }
0x96: {  	_ =	strace s3  }
0x97: {  	_ =	strace $0x8FFFFFFF  }
0x98: {  	s19 =	sld [smem:$0x3FDB];
	_ =	sdelay $0x1  }
0x99: {  	s4 =	simm.s32 $_scs_section_size  }
0x9a: {  	s5 =	simm.s32 $_size__tile_overlayer_lowered;
	s6 =	simm.s32 $_tile_overlayer_lowered  }
0x9b: {  	s22 =	simm.s32 $0x1BFF;
	s21 =	sshll.u32 s6, $0x1;
	s3 =	sadd.s32 s4, s19  }
0x9c: {  	s7 =	simm.s32 $0x0;
	s20 =	sshll.u32 s5, $0x1;
	s5 =	sadd.s32 s21, s3  }
0x9d: {  	[timem:s7], [sflag:s22] =	dma.local [hbm:s5], s20  }
0x9e: {  	_ =	swait.ge [sflag:s22], s20  }
0x9f: {  	s4 =	ssub.s32 $0x0, s20;
	[sflag:s22] =	ssyncset.done $0x0  }
0xa0: {  	[sflag:s22] =	ssyncadd.s32 s4;
	_ =	sdelay $0x1  }
0xa1: {  	s23 =	simm.s32 $0x1B8B  }
0xa2: {  	_ =	swait.ge [sflag:s23], $0x1  }
0xa3: {  	[sflag:s23] =	ssyncset.done $0x0  }
0xa4: {  	s25 =	simm.s32 $0x1B8E;
	s24 =	sld [smem:$0x3FFE];
	[sflag:s23] =	ssyncadd.s32 $0xFFFFFFFF  }
0xa5: {  	s26 =	simm.s32 $execute0_lowered;
	[smem:$0x3FD2] =	sst s25  }
0xa6: {  	s5 =	sshll.u32 s26, $0x1;
	_ =	strace $0x80000046;
	[dreg:$0x1] =	wrdreg $0xFFFFFFFF  }
0xa7: {  	s28 =	simm.s32 $_size_execute0_lowered;
	s3 =	sadd.s32 s3, s5;
	[dreg:$0x0] =	wrdreg $0x0  }
0xa8: {  	s5 =	sshll.u32 s28, $0x1;
	[dreg:$0x2] =	wrdreg s3  }
0xa9: {  	[dreg:$0x3] =	wrdreg s5  }
0xaa: {  	[dreg:$0x4] =	wrdreg $0xC0  }
0xab: {  	_ =	task [dreg:s7], $0x5FFFF  }
0xac: {  	[dreg:$0x1] =	wrdreg $0xFFFFFFFF  }
0xad: {  	[dreg:$0x0] =	wrdreg $0x60  }
0xae: {  	[dreg:$0x2] =	wrdreg s2  }
0xaf: {  	[dreg:$0x3] =	wrdreg s24  }
0xb0: {  	[dreg:$0x4] =	wrdreg $0x9  }
0xb1: {  	_ =	task.clear_ibuf [dreg:s7], $0x5FFFF;
	_ =	strace $0x90000046  }
0xb2: {  	s29 =	simm.s32 $0x9;
	_ =	strace $0x80000048  }
0xb3: {  	_ =	swait.ge [sflag:s29], $0x1  }
0xb4: {  	[sflag:s29] =	ssyncadd.s32 $0xFFFFFFFF  }
0xb5: {  	_ =	strace $0x90000048  }
0xb6: {  	_ =	sfence  }
0xb7: {  	s30 =	sld [smem:$0x0];
	_ =	sdelay $0x2  }
0xb8: {  	s31 =	sshll.u32 s1, $0xD;
	s1 =	sshrl.u32 s1, $0x2  }
0xb9: {  	s3 =	sand.u32 $0x4000, s31;
	s1 =	sadd.s32 s1, s30  }
0xba: {  	s0 =	sor.u32 s3, s0;
	s1 =	sshll.u32 s1, $0x11  }
0xbb: {  	s0 =	sor.u32 s1, s0  }
0xbc: {  	s0 =	sadd.s32 $0x8F2B, s0  }
0xbd: {  	[sflag:s0] =	ssyncadd.remote.s32 $0x1  }
0xbe: {  	_ =	sfence.sel $0xFFFF  }
0xbf: {  	[dreg:$0x0] =	wrdreg $0xFFFFFFFF;
	(pc) =	sbr.abs _section_cstart, $3  }
0xc0: {  	[dreg:$0x1] =	wrdreg $0xFFFFFFFF  }
0xc1: {  	_ =	task.clear_ibuf [dreg:s7], $0x2FFFF;
	_ =	strace $0x9FFFFFFF  }
0xc2: {  	(tm) =	ssettm $0x7FFFFFFF  }
0xc3: {  	_ =	shalt  }
tec
execute0_lowered:
.L_overlay_start_1:
0x0: {  	(tag) =	ssettag $0x1  }
0x1: {  	s1 =	rddreg [dreg:$0x0]  }
0x2: {  	s0 =	rddreg [dreg:$0x1];
	s3 =	simm.s32 $0x0;
	s4 =	srdreg.scid  }
0x3: {  	s2 =	stileid.u32;
	s10 =	simm.s32 $0x3;
	s11 =	simm.s32 $0x80  }
0x4: {  	s12 =	simm.s32 $0x200;
	s13 =	simm.s32 $0x400;
	s14 =	simm.s32 $0x280  }
0x5: {  	s15 =	simm.s32 $0x4400;
	s16 =	simm.s32 $0x1;
	s17 =	simm.s32 $0x100  }
0x6: {  	s18 =	simm.s32 $0x300;
	s19 =	simm.s32 $0x8400;
	s20 =	simm.s32 $0x380  }
0x7: {  	s21 =	simm.s32 $0xC400;
	s4 =	sand.u32 $0x1, s4;
	s5 =	sshll.u32 s2, $0x1  }
0x8: {  	s22 =	simm.s32 $0x10400;
	s23 =	simm.s32 $0x2;
	s8 =	sor.u32 s4, s5  }
0x9: {  	[smem:$0x7FF] =	sst s3;
	s6 =	ssub.s32 $0x2, s4;
	s9 =	smul.u32 $0xC80, s8  }
0xa: {  	_ =	strace $0x80000047;
	s4 =	sadd.s32 $0xF42E00, s0;
	s7 =	sshrl.u32 s6, $0x1  }
0xb: {  	s5 =	sadd.s32 $0xA00, s0;
	s30 =	ssub.s32 s6, s7;
	s31 =	sadd.s32 s1, s9  }
0xc: {  	v0 =	vlaneseq.u32;
	s6 =	smul.u32 $0x6400, s8;
	s0 =	smax.u32 s30, $0x1;
	[dreg:$0x3] =	wrdreg s31  }
0xd: {  	v1 =	vor.u32 $0x10, v0;
	v2 =	vor.u32 $0x20, v0;
	v3 =	vor.u32 $0x30, v0;
	s2 =	simm.s32 $0x0;
	s8 =	smul.u32 $0x320000, s8;
	[dreg:$0x4] =	wrdreg s0  }
.LBB2_1:
0xe: {  	[dreg:$0x5] =	wrdreg s2  }
0xf: {  	s0 =	rddreg [dreg:$0x3]  }
0x10: {  	[tilespmem:s3], [sflag:$0x3] =	stream.linear.gather [hbm4b:s0+s3], $0x100, $0x38;
	[tilespmem:$0x18400] =	vst v63  }
0x11: {  	_ =	swait.ge [sflag:s10], $0x100  }
0x12: {  	[sflag:s10] =	ssyncset.done $0x0  }
0x13: {  	[sflag:s10] =	ssyncadd.s32 $0xFFFFFF00  }
0x14: {  	v4 =	vld [tilespmem:$0x0]  }
0x15: {  	v5 =	vld [tilespmem:$0x10]  }
0x16: {  	v6 =	vld [tilespmem:$0x20]  }
0x17: {  	v7 =	vld [tilespmem:$0x30]  }
0x18: {  	v8 =	vld [tilespmem:$0x40]  }
0x19: {  	v9 =	vld [tilespmem:$0x50];
	v4 =	vshra.s32 v4, $0x1  }
0x1a: {  	[tilespmem:$0x200] =	vst v4;
	v4 =	vshra.s32 v5, $0x1;
	v5 =	vld [tilespmem:$0x60]  }
0x1b: {  	v56 =	vld [tilespmem:$0x70];
	[tilespmem:$0x210] =	vst v4;
	v4 =	vshra.s32 v6, $0x1  }
0x1c: {  	v57 =	vld [tilespmem:$0x80];
	[tilespmem:$0x220] =	vst v4;
	v4 =	vshra.s32 v7, $0x1  }
0x1d: {  	v58 =	vld [tilespmem:$0x90];
	[tilespmem:$0x230] =	vst v4;
	v4 =	vshra.s32 v8, $0x1  }
0x1e: {  	v59 =	vld [tilespmem:$0xA0];
	[tilespmem:$0x240] =	vst v4;
	v4 =	vshra.s32 v9, $0x1  }
0x1f: {  	[tilespmem:$0x250] =	vst v4;
	v4 =	vshra.s32 v5, $0x1;
	v5 =	vld [tilespmem:$0xB0]  }
0x20: {  	v60 =	vld [tilespmem:$0xC0];
	[tilespmem:$0x260] =	vst v4;
	v4 =	vshra.s32 v56, $0x1  }
0x21: {  	v61 =	vld [tilespmem:$0xD0];
	[tilespmem:$0x270] =	vst v4;
	v4 =	vshra.s32 v57, $0x1  }
0x22: {  	v62 =	vld [tilespmem:$0xE0];
	[tilespmem:$0x280] =	vst v4;
	v4 =	vshra.s32 v58, $0x1  }
0x23: {  	v63 =	vld [tilespmem:$0xF0];
	[tilespmem:$0x290] =	vst v4;
	v4 =	vshra.s32 v59, $0x1  }
0x24: {  	[tilespmem:$0x2A0] =	vst v4;
	v4 =	vshra.s32 v5, $0x1  }
0x25: {  	[tilespmem:$0x2B0] =	vst v4;
	v4 =	vshra.s32 v60, $0x1  }
0x26: {  	[tilespmem:$0x2C0] =	vst v4;
	v4 =	vshra.s32 v61, $0x1  }
0x27: {  	[tilespmem:$0x2D0] =	vst v4;
	v4 =	vshra.s32 v62, $0x1  }
0x28: {  	[tilespmem:$0x2E0] =	vst v4;
	v4 =	vshra.s32 v63, $0x1  }
0x29: {  	[tilespmem:$0x2F0] =	vst v4  }
0x2a: {  	[tilespmem:s13], [sflag:$0x1] =	stream.indirect.gather [hbm4b:s4+s11], $0x80, s12, s11, $0xb8;
	[tilespmem:$0x18400] =	vst v63  }
0x2b: {  	s25 =	simm.s32 $0x0  }
0x2c: {  	[tilespmem:s15], [sflag:$0x1] =	stream.indirect.gather [hbm4b:s4+s11], $0x80, s14, s11, $0xb8;
	[tilespmem:$0x18400] =	vst v63  }
.LBB2_2:
0x2d: {  	_ =	swait.ge [sflag:s16], $0x4000;
	s26 =	sshllo.u32 s25, $0x1;
	s28 =	sshll.u32 s25, $0x9  }
0x2e: {  	[sflag:s16] =	ssyncset.done $0x0;
	s0 =	sadd.s32 s6, s28;
	s29 =	sshll.u32 s26, $0x8  }
0x2f: {  	[sflag:s16] =	ssyncadd.s32 $0xFFFFC000;
	s0 =	sand.u32 $0x1FFC00, s0;
	s29 =	sand.u32 $0x300, s29  }
0x30: {  	_ =	swait.ge [sflag:s16], $0x4000;
	s0 =	sor.u32 s0, s29  }
0x31: {  	[sflag:s16] =	ssyncset.done $0x0;
	s0 =	sshrl.u32 s0, $0x3  }
0x32: {  	s29 =	simm.s32 $0x0;
	[sflag:s16] =	ssyncadd.s32 $0xFFFFC000;
	s0 =	sadd.s32 s1, s0  }
0x33: {  	[tilespmem:s17], [sflag:$0x3] =	stream.linear.gather [hbm4b:s0+s29], $0x100, $0x38;
	[tilespmem:$0x18400] =	vst v63  }
0x34: {  	_ =	swait.ge [sflag:s10], $0x100  }
0x35: {  	[sflag:s10] =	ssyncset.done $0x0  }
0x36: {  	[sflag:s10] =	ssyncadd.s32 $0xFFFFFF00  }
0x37: {  	v4 =	vld [tilespmem:$0x100]  }
0x38: {  	v5 =	vld [tilespmem:$0x110]  }
0x39: {  	v6 =	vld [tilespmem:$0x120]  }
0x3a: {  	v7 =	vld [tilespmem:$0x130]  }
0x3b: {  	v8 =	vld [tilespmem:$0x140]  }
0x3c: {  	v9 =	vld [tilespmem:$0x150]  }
0x3d: {  	v10 =	vld [tilespmem:$0x160];
	v4 =	vshra.s32 v4, $0x1  }
0x3e: {  	[tilespmem:$0x300] =	vst v4;
	v4 =	vshra.s32 v5, $0x1;
	v5 =	vld [tilespmem:$0x170]  }
0x3f: {  	[tilespmem:$0x310] =	vst v4;
	v4 =	vshra.s32 v6, $0x1;
	v6 =	vld [tilespmem:$0x180]  }
0x40: {  	[tilespmem:$0x320] =	vst v4;
	v4 =	vshra.s32 v7, $0x1;
	v7 =	vld [tilespmem:$0x190]  }
0x41: {  	[tilespmem:$0x330] =	vst v4;
	v4 =	vshra.s32 v8, $0x1;
	v8 =	vld [tilespmem:$0x1A0]  }
0x42: {  	[tilespmem:$0x340] =	vst v4;
	v4 =	vshra.s32 v9, $0x1;
	v9 =	vld [tilespmem:$0x1B0]  }
0x43: {  	[tilespmem:$0x350] =	vst v4;
	v4 =	vshra.s32 v10, $0x1;
	v10 =	vld [tilespmem:$0x1C0]  }
0x44: {  	[tilespmem:$0x360] =	vst v4;
	v4 =	vshra.s32 v5, $0x1;
	v5 =	vld [tilespmem:$0x1D0]  }
0x45: {  	[tilespmem:$0x370] =	vst v4;
	v4 =	vshra.s32 v6, $0x1;
	v6 =	vld [tilespmem:$0x1E0]  }
0x46: {  	[tilespmem:$0x380] =	vst v4;
	v4 =	vshra.s32 v7, $0x1;
	v7 =	vld [tilespmem:$0x1F0]  }
0x47: {  	[tilespmem:$0x390] =	vst v4;
	v4 =	vshra.s32 v8, $0x1  }
0x48: {  	[tilespmem:$0x3A0] =	vst v4;
	v4 =	vshra.s32 v9, $0x1  }
0x49: {  	[tilespmem:$0x3B0] =	vst v4;
	v4 =	vshra.s32 v10, $0x1  }
0x4a: {  	s2 =	simm.s32 $0x2;
	[tilespmem:$0x3C0] =	vst v4;
	v4 =	vshra.s32 v5, $0x1;
	v5 =	vshra.s32 v6, $0x1;
	v6 =	vmov s29  }
0x4b: {  	s30 =	simm.s32 $0x1;
	s29 =	sand.u32 $0x7C, s29;
	[tilespmem:$0x3D0] =	vst v4;
	v4 =	vshra.s32 v7, $0x1;
	v7 =	vmov s2;
	v8 =	vand.u32 $0x80, v6  }
0x4c: {  	s7 =	simm.s32 $0x6;
	s0 =	sand.u32 $0x7E, s2;
	[tilespmem:$0x3E0] =	vst v5;
	v5 =	vmov s30;
	v9 =	vand.u32 $0x80, v7;
	v8 =	vor.u32 s29, v8  }
0x4d: {  	s9 =	simm.s32 $0x4;
	[tilespmem:$0x3F0] =	vst v4;
	v4 =	vand.u32 $0x80, v5;
	s29 =	sand.u32 $0x7D, s30;
	s30 =	simm.s32 $0x5;
	v9 =	vor.u32 s0, v9  }
0x4e: {  	v11 =	vmov s7;
	[tilespmem:s19], [sflag:$0x2] =	stream.indirect.gather [hbm4b:s4+s11], $0x80, s18, s11, $0xb8;
	v4 =	vor.u32 s29, v4;
	[tilespmem:$0x18400] =	vst v63  }
0x4f: {  	v10 =	vand.u32 $0x80, v11;
	s29 =	simm.s32 $0x3;
	v13 =	vmov s30;
	s0 =	sand.u32 $0x7E, s7;
	s30 =	sand.u32 $0x7D, s30  }
0x50: {  	v16 =	vmov s9;
	v15 =	vand.u32 $0x80, v13;
	v10 =	vor.u32 s0, v10;
	[tilespmem:s21], [sflag:$0x2] =	stream.indirect.gather [hbm4b:s4+s11], $0x80, s20, s11, $0xb8;
	[tilespmem:$0x18400] =	vst v63  }
0x51: {  	v17 =	vand.u32 $0x80, v16;
	v12 =	vmov s29;
	s0 =	sand.u32 $0x7C, s9;
	v15 =	vor.u32 s30, v15;
	v8 =	vld.idx.msk [tilespmem:v8+s3+$0x0], $0xffff  }
0x52: {  	s29 =	sand.u32 $0x7F, s29;
	v14 =	vand.u32 $0x80, v12;
	v17 =	vor.u32 s0, v17;
	v9 =	vld.idx.msk [tilespmem:v9+s3+$0x0], $0xffff  }
0x53: {  	v14 =	vor.u32 s29, v14;
	v4 =	vld.idx.msk [tilespmem:v4+s3+$0x0], $0xffff  }
0x54: {  	v16 =	vshll.u32 v16, $0x7;
	v11 =	vshll.u32 v11, $0x7;
	v6 =	vshll.u32 v6, $0x7;
	s2 =	simm.s32 $0xB  }
0x55: {  	v5 =	vshll.u32 v5, $0x7;
	v7 =	vshll.u32 v7, $0x7;
	v25 =	vmov s2;
	v18 =	vld.idx.msk [tilespmem:v10+s3+$0x0], $0xffff  }
0x56: {  	v13 =	vshll.u32 v13, $0x7;
	s9 =	simm.s32 $0xC;
	v12 =	vshll.u32 v12, $0x7;
	v15 =	vld.idx.msk [tilespmem:v15+s3+$0x0], $0xffff;
	v8 =	vshll.u32 v8, $0x6  }
0x57: {  	v61 =	vmov s9;
	s29 =	simm.s32 $0x7;
	v17 =	vld.idx.msk [tilespmem:v17+s3+$0x0], $0xffff;
	v9 =	vshll.u32 v9, $0x6;
	v8 =	vand.u32 $0x40, v8  }
0x58: {  	v21 =	vld.idx.msk [tilespmem:v14+s3+$0x0], $0xffff;
	v4 =	vshll.u32 v4, $0x6;
	v6 =	vor.u32 v6, v8;
	v8 =	vmov s29  }
0x59: {  	v9 =	vand.u32 $0x40, v9;
	v4 =	vand.u32 $0x40, v4;
	v19 =	vor.u32 v0, v6  }
0x5a: {  	v20 =	vand.u32 $0x80, v8;
	v10 =	vor.u32 v7, v9;
	v9 =	vor.u32 v1, v6  }
0x5b: {  	v14 =	vor.u32 v5, v4;
	v5 =	vshll.u32 v18, $0x6;
	v15 =	vshll.u32 v15, $0x6  }
0x5c: {  	s29 =	sand.u32 $0x7F, s29;
	v17 =	vshll.u32 v17, $0x6;
	v30 =	vor.u32 v3, v6;
	v18 =	vor.u32 v0, v14  }
0x5d: {  	v7 =	vor.u32 s29, v20;
	v20 =	vor.u32 v0, v10;
	v21 =	vshll.u32 v21, $0x6  }
0x5e: {  	v33 =	vshll.u32 v8, $0x7;
	v6 =	vor.u32 v2, v6;
	s29 =	simm.s32 $0x9;
	v21 =	vand.u32 $0x40, v21  }
0x5f: {  	s30 =	simm.s32 $0x8;
	v5 =	vand.u32 $0x40, v5;
	v22 =	vmov s29;
	v21 =	vor.u32 v12, v21  }
0x60: {  	s24 =	simm.s32 $0xA;
	s29 =	sand.u32 $0x7D, s29;
	v24 =	vand.u32 $0x80, v22;
	v12 =	vmov s30;
	v27 =	vor.u32 v0, v21;
	v4 =	vld.idx.msk [tilespmem:v19+s13+$0x0], $0xffff  }
0x61: {  	v24 =	vor.u32 s29, v24;
	v26 =	vand.u32 $0x80, v12;
	s29 =	sand.u32 $0x7C, s30;
	v19 =	vmov s24;
	v18 =	vld.idx.msk [tilespmem:v18+s13+$0x0], $0xffff  }
0x62: {  	s0 =	sand.u32 $0x7E, s24;
	v31 =	vor.u32 v1, v14;
	v26 =	vor.u32 s29, v26;
	v23 =	vand.u32 $0x80, v19;
	v20 =	vld.idx.msk [tilespmem:v20+s13+$0x0], $0xffff  }
0x63: {  	v32 =	vor.u32 v2, v10;
	v8 =	vand.u32 $0x40, v15;
	v7 =	vld.idx.msk [tilespmem:v7+s3+$0x0], $0xffff;
	v23 =	vor.u32 s0, v23  }
0x64: {  	v62 =	vor.u32 v3, v14;
	v8 =	vor.u32 v13, v8;
	v36 =	vshll.u32 v22, $0x7  }
0x65: {  	v35 =	vshll.u32 v12, $0x7;
	v27 =	vld.idx.msk [tilespmem:v27+s13+$0x0], $0xffff;
	v28 =	vmul.f32 $8.000000000e+00, v4;
	v4 =	vor.u32 v11, v5  }
0x66: {  	s30 =	simm.s32 $0x10500;
	v24 =	vld.idx.msk [tilespmem:v24+s3+$0x0], $0xffff;
	v11 =	vand.u32 $0x40, v17;
	v17 =	vor.u32 v1, v10;
	v18 =	vmul.f32 $8.000000000e+00, v18  }
0x67: {  	v12 =	vld.idx.msk [tilespmem:v26+s3+$0x0], $0xffff;
	[tilespmem:s30+$0xFFFFFF00] =	vst v28;
	v28 =	vor.u32 v16, v11;
	v16 =	vmul.f32 $8.000000000e+00, v20;
	v20 =	vor.u32 v0, v4  }
0x68: {  	v22 =	vor.u32 v2, v14;
	v34 =	vor.u32 v1, v21;
	v7 =	vshll.u32 v7, $0x6;
	v23 =	vld.idx.msk [tilespmem:v23+s3+$0x0], $0xffff  }
0x69: {  	s0 =	sand.u32 $0x7F, s2;
	v5 =	vand.u32 $0x80, v25;
	v7 =	vand.u32 $0x40, v7;
	v11 =	vor.u32 v0, v28;
	v9 =	vld.idx.msk [tilespmem:v9+s13+$0x0], $0xffff;
	[tilespmem:s30+$0xFFFFFF80] =	vst v18  }
0x6a: {  	v5 =	vor.u32 s0, v5;
	v7 =	vor.u32 v33, v7;
	v13 =	vld.idx.msk [tilespmem:v31+s13+$0x0], $0xffff;
	v27 =	vmul.f32 $8.000000000e+00, v27;
	[tilespmem:s30+$0x0] =	vst v16  }
0x6b: {  	s7 =	simm.s32 $0xD;
	v15 =	vor.u32 v2, v21;
	v19 =	vshll.u32 v19, $0x7;
	v39 =	vor.u32 v0, v7;
	v17 =	vld.idx.msk [tilespmem:v17+s13+$0x0], $0xffff  }
0x6c: {  	s29 =	simm.s32 $0xE;
	v29 =	vor.u32 v1, v28;
	v37 =	vshll.u32 v24, $0x6;
	v24 =	vmov s7;
	[tilespmem:s30+$0x80] =	vst v27;
	v31 =	vld.idx.msk [tilespmem:v20+s13+$0x0], $0xffff  }
0x6d: {  	v27 =	vmov s29;
	v18 =	vshll.u32 v23, $0x6;
	v23 =	vor.u32 v0, v8;
	v26 =	vld.idx.msk [tilespmem:v34+s13+$0x0], $0xffff  }
0x6e: {  	s0 =	sand.u32 $0x7D, s7;
	s29 =	sand.u32 $0x7E, s29;
	v20 =	vand.u32 $0x80, v24;
	v16 =	vand.u32 $0x80, v27;
	v11 =	vld.idx.msk [tilespmem:v11+s13+$0x0], $0xffff;
	v9 =	vmul.f32 $8.000000000e+00, v9  }
0x6f: {  	v14 =	vand.u32 $0x40, v37;
	v60 =	vor.u32 s0, v20;
	v38 =	vor.u32 s29, v16;
	v16 =	vld.idx.msk [tilespmem:v5+s3+$0x0], $0xffff  }
0x70: {  	v18 =	vand.u32 $0x40, v18;
	v5 =	vand.u32 $0x80, v61;
	s0 =	sand.u32 $0x7C, s9;
	v13 =	vmul.f32 $8.000000000e+00, v13;
	v39 =	vld.idx.msk [tilespmem:v39+s13+$0x0], $0xffff;
	[tilespmem:s30+$0xFFFFFF10] =	vst v9  }
0x71: {  	s31 =	simm.s32 $0xF;
	v14 =	vor.u32 v36, v14;
	v20 =	vor.u32 s0, v5;
	v5 =	vor.u32 v19, v18;
	v40 =	vld.idx.msk [tilespmem:v6+s13+$0x0], $0xffff  }
0x72: {  	v9 =	vmov s31;
	v17 =	vmul.f32 $8.000000000e+00, v17;
	v46 =	vor.u32 v0, v5;
	[tilespmem:s30+$0xFFFFFF90] =	vst v13;
	v19 =	vld.idx.msk [tilespmem:v23+s13+$0x0], $0xffff  }
0x73: {  	v6 =	vshll.u32 v12, $0x6;
	v12 =	vor.u32 v1, v4;
	v43 =	vld.idx.msk [tilespmem:v22+s13+$0x0], $0xffff;
	v11 =	vmul.f32 $8.000000000e+00, v11  }
0x74: {  	s24 =	sand.u32 $0x7F, s31;
	s31 =	simm.s32 $0x10700;
	v18 =	vand.u32 $0x80, v9;
	v6 =	vand.u32 $0x40, v6;
	v26 =	vmul.f32 $8.000000000e+00, v26;
	v41 =	vld.idx.msk [tilespmem:v60+s3+$0x0], $0xffff  }
0x75: {  	v13 =	vor.u32 s24, v18;
	v23 =	vor.u32 v3, v10;
	v38 =	vld.idx.msk [tilespmem:v38+s3+$0x0], $0xffff;
	v6 =	vor.u32 v35, v6;
	[tilespmem:s31+$0xFFFFFF00] =	vst v11  }
0x76: {  	v45 =	vmul.f32 $8.000000000e+00, v31;
	v31 =	vor.u32 v1, v8;
	[tilespmem:s30+$0x10] =	vst v17;
	v42 =	vor.u32 v0, v6;
	v44 =	vld.idx.msk [tilespmem:v29+s13+$0x0], $0xffff  }
0x77: {  	v10 =	vor.u32 v2, v4;
	v22 =	vor.u32 v2, v28;
	v47 =	vld.idx.msk [tilespmem:v32+s13+$0x0], $0xffff;
	[tilespmem:s30+$0x90] =	vst v26;
	v29 =	vmul.f32 $8.000000000e+00, v40  }
0x78: {  	v35 =	vor.u32 v1, v7;
	v18 =	vor.u32 v1, v6;
	v34 =	vld.idx.msk [tilespmem:v15+s13+$0x0], $0xffff;
	v17 =	vmul.f32 $8.000000000e+00, v19  }
0x79: {  	v26 =	vshll.u32 v25, $0x7;
	v25 =	vshll.u32 v24, $0x7;
	[tilespmem:s30+$0xFFFFFF20] =	vst v29;
	v29 =	vor.u32 v3, v21;
	v21 =	vld.idx.msk [tilespmem:v46+s13+$0x0], $0xffff  }
0x7a: {  	v24 =	vshll.u32 v27, $0x7;
	v37 =	vmul.f32 $8.000000000e+00, v39;
	v32 =	vld.idx.msk [tilespmem:v30+s13+$0x0], $0xffff;
	[tilespmem:s31+$0xFFFFFF80] =	vst v17;
	v17 =	vmul.f32 $8.000000000e+00, v43  }
0x7b: {  	[tilespmem:s31+$0x0] =	vst v45;
	v27 =	vshll.u32 v61, $0x7;
	v11 =	vor.u32 v3, v28;
	v28 =	vld.idx.msk [tilespmem:v42+s13+$0x0], $0xffff;
	v63 =	vmul.f32 $8.000000000e+00, v44  }
0x7c: {  	v15 =	vor.u32 v2, v7;
	v19 =	vor.u32 v2, v8;
	v36 =	vshll.u32 v38, $0x6;
	v31 =	vld.idx.msk [tilespmem:v31+s13+$0x0], $0xffff;
	[tilespmem:s30+$0xFFFFFFA0] =	vst v17  }
0x7d: {  	s29 =	simm.s32 $0x10900;
	s0 =	simm.s32 $0x10;
	v38 =	vmul.f32 $8.000000000e+00, v47;
	v30 =	vor.u32 v0, v14;
	v17 =	vshll.u32 v41, $0x6;
	v33 =	vld.idx.msk [tilespmem:v62+s13+$0x0], $0xffff;
	[tilespmem:s31+$0xFFFFFF10] =	vst v63  }
.LBB2_3:
0x7e: {  	s2 =	sadd.s32 $0x1, s0;
	s7 =	sadd.s32 $0x2, s0;
	s9 =	sadd.s32 $0x3, s0;
	v39 =	vld.idx.msk [tilespmem:v20+s3+$0x0], $0xffff;
	v36 =	vand.u32 $0x40, v36;
	v16 =	vshll.u32 v16, $0x6;
	[tilespmem:s31+$0x80] =	vst v37;
	v20 =	vmul.f32 $8.000000000e+00, v34;
	v37 =	vmovc v25;
	v25 =	vmovc v8  }
0x7f: {  	p0 =	slt.u32 s0, $0xFC;
	v32 =	vmul.f32 $8.000000000e+00, v32;
	v8 =	vmovc v14;
	s24 =	smov.u32 s0;
	s0 =	sadd.s32 $0x4, s0;
	v40 =	vmov s2;
	v41 =	vmov s7;
	v34 =	vld.idx.msk [tilespmem:v35+s13+$0x0], $0xffff;
	[tilespmem:s30+$0x20] =	vst v38  }
0x80: {  	s2 =	sand.u32 $0x7D, s2;
	s7 =	sand.u32 $0x7E, s7;
	v16 =	vand.u32 $0x40, v16;
	v14 =	vand.u32 $0x80, v40;
	v35 =	vand.u32 $0x80, v41;
	v23 =	vld.idx.msk [tilespmem:v23+s13+$0x0], $0xffff;
	[tilespmem:s30+$0xA0] =	vst v20  }
0x81: {  	v38 =	vor.u32 v26, v16;
	v14 =	vor.u32 s2, v14;
	v35 =	vor.u32 s7, v35;
	[tilespmem:s30+$0xFFFFFF30] =	vst v32;
	v26 =	vld.idx.msk [tilespmem:v29+s13+$0x0], $0xffff  }
0x82: {  	v42 =	vmov s24;
	v43 =	vmov s9;
	s2 =	sand.u32 $0x7F, s9;
	v29 =	vmul.f32 $8.000000000e+00, v31;
	v31 =	vld.idx.msk [tilespmem:v12+s13+$0x0], $0xffff  }
0x83: {  	s7 =	sand.u32 $0x7C, s24;
	v12 =	vand.u32 $0x80, v42;
	v16 =	vld.idx.msk [tilespmem:v13+s3+$0x0], $0xffff;
	v13 =	vmul.f32 $8.000000000e+00, v28;
	v28 =	vor.u32 v0, v38  }
0x84: {  	v36 =	vor.u32 v24, v36;
	v24 =	vmul.f32 $8.000000000e+00, v33;
	v20 =	vor.u32 s7, v12;
	v22 =	vld.idx.msk [tilespmem:v22+s13+$0x0], $0xffff;
	[tilespmem:s31+$0xFFFFFF90] =	vst v29  }
0x85: {  	v12 =	vor.u32 v1, v5;
	v29 =	vshll.u32 v39, $0x6;
	v32 =	vmul.f32 $8.000000000e+00, v34;
	[tilespmem:s29+$0xFFFFFF00] =	vst v13;
	v30 =	vld.idx.msk [tilespmem:v30+s13+$0x0], $0xffff  }
0x86: {  	v13 =	vand.u32 $0x80, v43;
	v23 =	vmul.f32 $8.000000000e+00, v23;
	v33 =	vld.idx.msk [tilespmem:v14+s3+$0x0], $0xffff;
	v14 =	vand.u32 $0x40, v29;
	[tilespmem:s30+$0xFFFFFFB0] =	vst v24  }
0x87: {  	v13 =	vor.u32 s2, v13;
	v39 =	vld.idx.msk [tilespmem:v35+s3+$0x0], $0xffff;
	v27 =	vor.u32 v27, v14;
	[tilespmem:s31+$0x90] =	vst v32;
	v14 =	vmul.f32 $8.000000000e+00, v26  }
0x88: {  	v44 =	vor.u32 v0, v27;
	v45 =	vor.u32 v1, v27;
	v46 =	vld.idx.msk [tilespmem:v19+s13+$0x0], $0xffff;
	v19 =	vmul.f32 $8.000000000e+00, v31;
	[tilespmem:s30+$0x30] =	vst v23  }
0x89: {  	v47 =	vor.u32 v3, v6;
	v21 =	vmul.f32 $8.000000000e+00, v21;
	v23 =	vor.u32 v3, v4;
	v18 =	vld.idx.msk [tilespmem:v18+s13+$0x0], $0xffff;
	[tilespmem:s30+$0xB0] =	vst v14;
	s30 =	smov.u32 s31;
	s31 =	smov.u32 s29;
	s29 =	sadd.s32 $0x200, s29  }
0x8a: {  	v48 =	vor.u32 v0, v36;
	v31 =	vor.u32 v1, v8;
	v14 =	vmul.f32 $8.000000000e+00, v22;
	v49 =	vld.idx.msk [tilespmem:v28+s13+$0x0], $0xffff;
	[tilespmem:s30+$0x10] =	vst v19  }
0x8b: {  	v50 =	vor.u32 v3, v25;
	v4 =	vmovc v5;
	v30 =	vmul.f32 $8.000000000e+00, v30;
	v51 =	vld.idx.msk [tilespmem:v10+s13+$0x0], $0xffff;
	v10 =	vor.u32 v2, v5  }
0x8c: {  	v29 =	vor.u32 v3, v7;
	v26 =	vshll.u32 v9, $0x7;
	v22 =	vor.u32 v2, v6;
	[tilespmem:s30+$0xFFFFFF20] =	vst v14;
	v34 =	vld.idx.msk [tilespmem:v15+s13+$0x0], $0xffff  }
.Ltmp0:
0x8d: {  	v25 =	vshll.u32 v40, $0x7;
	v7 =	vmovc v38;
	v35 =	vor.u32 v1, v38;
	v19 =	vor.u32 v2, v8;
	v32 =	vld.idx.msk [tilespmem:v11+s13+$0x0], $0xffff;
	(pc) =	sbr.rel @p0 .LBB2_3-.Ltmp0, $4  }
0x8e: {  	v17 =	vand.u32 $0x40, v17;
	v24 =	vshll.u32 v41, $0x7;
	v9 =	vmovc v43;
	v5 =	vmovc v36;
	v41 =	vmul.f32 $8.000000000e+00, v46;
	v28 =	vld.idx.msk [tilespmem:v44+s13+$0x0], $0xffff;
	[tilespmem:s31+$0xFFFFFF80] =	vst v30  }
0x8f: {  	v14 =	vor.u32 v37, v17;
	v15 =	vor.u32 v2, v7;
	v40 =	vmul.f32 $8.000000000e+00, v18;
	v31 =	vld.idx.msk [tilespmem:v31+s13+$0x0], $0xffff;
	[tilespmem:s31+$0x0] =	vst v21  }
0x90: {  	v6 =	vmovc v27;
	v36 =	vshll.u32 v39, $0x6;
	v30 =	vor.u32 v0, v14;
	v37 =	vmul.f32 $8.000000000e+00, v49;
	v21 =	vld.idx.msk [tilespmem:v48+s13+$0x0], $0xffff;
	[tilespmem:s30+$0xFFFFFFA0] =	vst v41  }
0x91: {  	v27 =	vshll.u32 v42, $0x7;
	v17 =	vshll.u32 v33, $0x6;
	v11 =	vmovc v47;
	v18 =	vmovc v45;
	v38 =	vmul.f32 $8.000000000e+00, v51;
	[tilespmem:s31+$0xFFFFFF10] =	vst v40;
	v33 =	vld.idx.msk [tilespmem:v50+s13+$0x0], $0xffff  }
0x92: {  	_ =	sdelay $0x3  }
0x93: {  	v20 =	vld.idx.msk [tilespmem:v20+s3+$0x0], $0xffff  }
0x94: {  	[tilespmem:s31+$0x80] =	vst v37;
	v34 =	vmul.f32 $8.000000000e+00, v34;
	v40 =	vld.idx.msk [tilespmem:v12+s13+$0x0], $0xffff  }
0x95: {  	v32 =	vmul.f32 $8.000000000e+00, v32;
	v22 =	vld.idx.msk [tilespmem:v22+s13+$0x0], $0xffff;
	[tilespmem:s30+$0x20] =	vst v38  }
0x96: {  	v30 =	vld.idx.msk [tilespmem:v30+s13+$0x0], $0xffff;
	v17 =	vand.u32 $0x40, v17;
	v41 =	vmul.f32 $8.000000000e+00, v28;
	[tilespmem:s30+$0xA0] =	vst v34  }
0x97: {  	v43 =	vand.u32 $0x40, v36;
	v13 =	vld.idx.msk [tilespmem:v13+s3+$0x0], $0xffff;
	v17 =	vor.u32 v25, v17;
	v31 =	vmul.f32 $8.000000000e+00, v31;
	[tilespmem:s30+$0xFFFFFF30] =	vst v32  }
0x98: {  	v35 =	vld.idx.msk [tilespmem:v35+s13+$0x0], $0xffff;
	v12 =	vor.u32 v24, v43;
	v50 =	vor.u32 v0, v17;
	[tilespmem:s29+$0xFFFFFF00] =	vst v41;
	v21 =	vmul.f32 $8.000000000e+00, v21  }
0x99: {  	v16 =	vshll.u32 v16, $0x6;
	v23 =	vld.idx.msk [tilespmem:v23+s13+$0x0], $0xffff;
	v51 =	vor.u32 v0, v12;
	[tilespmem:s31+$0xFFFFFF90] =	vst v31;
	v42 =	vmul.f32 $8.000000000e+00, v33  }
0x9a: {  	v57 =	vor.u32 v1, v5;
	v16 =	vand.u32 $0x40, v16;
	v29 =	vld.idx.msk [tilespmem:v29+s13+$0x0], $0xffff;
	v46 =	vmul.f32 $8.000000000e+00, v40;
	[tilespmem:s29+$0x0] =	vst v21  }
0x9b: {  	v48 =	vor.u32 v1, v14;
	v16 =	vor.u32 v26, v16;
	v18 =	vld.idx.msk [tilespmem:v18+s13+$0x0], $0xffff;
	v22 =	vmul.f32 $8.000000000e+00, v22;
	[tilespmem:s30+$0xFFFFFFB0] =	vst v42  }
0x9c: {  	v9 =	vshll.u32 v9, $0x7;
	v26 =	vor.u32 v0, v16;
	v19 =	vld.idx.msk [tilespmem:v19+s13+$0x0], $0xffff;
	v49 =	vmul.f32 $8.000000000e+00, v30;
	[tilespmem:s31+$0x10] =	vst v46  }
0x9d: {  	v20 =	vshll.u32 v20, $0x6;
	v13 =	vshll.u32 v13, $0x6;
	v44 =	vmul.f32 $8.000000000e+00, v35;
	[tilespmem:s31+$0xFFFFFF20] =	vst v22;
	v58 =	vld.idx.msk [tilespmem:v50+s13+$0x0], $0xffff  }
0x9e: {  	v20 =	vand.u32 $0x40, v20;
	v13 =	vand.u32 $0x40, v13;
	v23 =	vmul.f32 $8.000000000e+00, v23;
	[tilespmem:s29+$0xFFFFFF80] =	vst v49;
	v59 =	vld.idx.msk [tilespmem:v51+s13+$0x0], $0xffff  }
0x9f: {  	v20 =	vor.u32 v27, v20;
	v9 =	vor.u32 v9, v13;
	v13 =	vld.idx.msk [tilespmem:v57+s13+$0x0], $0xffff;
	[tilespmem:s31+$0x90] =	vst v44;
	v45 =	vmul.f32 $8.000000000e+00, v29  }
0xa0: {  	v47 =	vor.u32 v0, v20;
	v10 =	vld.idx.msk [tilespmem:v10+s13+$0x0], $0xffff;
	[tilespmem:s30+$0x30] =	vst v23;
	v52 =	vmul.f32 $8.000000000e+00, v18  }
0xa1: {  	v26 =	vld.idx.msk [tilespmem:v26+s13+$0x0], $0xffff;
	v54 =	vor.u32 v0, v9;
	[tilespmem:s30+$0xB0] =	vst v45;
	v19 =	vmul.f32 $8.000000000e+00, v19  }
0xa2: {  	v33 =	vor.u32 v2, v6;
	v11 =	vld.idx.msk [tilespmem:v11+s13+$0x0], $0xffff;
	[tilespmem:s29+$0xFFFFFF10] =	vst v52;
	v31 =	vmul.f32 $8.000000000e+00, v58  }
0xa3: {  	v4 =	vor.u32 v3, v4;
	s0 =	sadd.s32 $0x200, s29;
	v53 =	vld.idx.msk [tilespmem:v48+s13+$0x0], $0xffff;
	[tilespmem:s31+$0xFFFFFFA0] =	vst v19;
	v34 =	vmul.f32 $8.000000000e+00, v59  }
0xa4: {  	v8 =	vor.u32 v3, v8;
	v15 =	vld.idx.msk [tilespmem:v15+s13+$0x0], $0xffff;
	v13 =	vmul.f32 $8.000000000e+00, v13;
	[tilespmem:s0+$0xFFFFFF80] =	vst v31  }
0xa5: {  	v29 =	vor.u32 v1, v17;
	v56 =	vld.idx.msk [tilespmem:v47+s13+$0x0], $0xffff;
	v10 =	vmul.f32 $8.000000000e+00, v10;
	[tilespmem:s0+$0x0] =	vst v34  }
0xa6: {  	v55 =	vor.u32 v1, v16;
	v26 =	vmul.f32 $8.000000000e+00, v26;
	v62 =	vld.idx.msk [tilespmem:v54+s13+$0x0], $0xffff;
	[tilespmem:s29+$0x10] =	vst v13  }
0xa7: {  	v30 =	vor.u32 v1, v12;
	v41 =	vld.idx.msk [tilespmem:v33+s13+$0x0], $0xffff;
	v11 =	vmul.f32 $8.000000000e+00, v11;
	[tilespmem:s31+$0x20] =	vst v10  }
0xa8: {  	v60 =	vor.u32 v1, v20;
	v61 =	vmul.f32 $8.000000000e+00, v53;
	[tilespmem:s29+$0x80] =	vst v26;
	v4 =	vld.idx.msk [tilespmem:v4+s13+$0x0], $0xffff  }
0xa9: {  	v32 =	vor.u32 v1, v9;
	v8 =	vld.idx.msk [tilespmem:v8+s13+$0x0], $0xffff;
	v15 =	vmul.f32 $8.000000000e+00, v15;
	[tilespmem:s31+$0xFFFFFF30] =	vst v11  }
0xaa: {  	v7 =	vor.u32 v3, v7;
	[tilespmem:s29+$0xFFFFFF90] =	vst v61;
	v23 =	vld.idx.msk [tilespmem:v29+s13+$0x0], $0xffff;
	v28 =	vmul.f32 $8.000000000e+00, v56  }
0xab: {  	v35 =	vor.u32 v2, v14;
	[tilespmem:s31+$0xA0] =	vst v15;
	v63 =	vld.idx.msk [tilespmem:v55+s13+$0x0], $0xffff;
	v36 =	vmul.f32 $8.000000000e+00, v62  }
0xac: {  	v37 =	vor.u32 v2, v5;
	v39 =	vld.idx.msk [tilespmem:v30+s13+$0x0], $0xffff;
	v50 =	vmul.f32 $8.000000000e+00, v41;
	[tilespmem:s0+$0xFFFFFF00] =	vst v28  }
0xad: {  	v45 =	vor.u32 v3, v6;
	[tilespmem:s0+$0x80] =	vst v36;
	v10 =	vld.idx.msk [tilespmem:v60+s13+$0x0], $0xffff;
	v4 =	vmul.f32 $8.000000000e+00, v4  }
0xae: {  	v38 =	vor.u32 v2, v16;
	v8 =	vmul.f32 $8.000000000e+00, v8;
	[tilespmem:s29+$0xFFFFFF20] =	vst v50;
	v19 =	vld.idx.msk [tilespmem:v32+s13+$0x0], $0xffff  }
0xaf: {  	v7 =	vld.idx.msk [tilespmem:v7+s13+$0x0], $0xffff;
	v23 =	vmul.f32 $8.000000000e+00, v23;
	[tilespmem:s31+$0x30] =	vst v4;
	v4 =	vor.u32 v2, v17  }
0xb0: {  	v40 =	vor.u32 v2, v20;
	v22 =	vld.idx.msk [tilespmem:v35+s13+$0x0], $0xffff;
	[tilespmem:s31+$0xFFFFFFB0] =	vst v8;
	v21 =	vmul.f32 $8.000000000e+00, v63  }
0xb1: {  	v44 =	vor.u32 v2, v9;
	v43 =	vld.idx.msk [tilespmem:v37+s13+$0x0], $0xffff;
	v46 =	vmul.f32 $8.000000000e+00, v39;
	[tilespmem:s0+$0xFFFFFF90] =	vst v23  }
0xb2: {  	v42 =	vor.u32 v2, v12;
	v6 =	vld.idx.msk [tilespmem:v45+s13+$0x0], $0xffff;
	[tilespmem:s29+$0x90] =	vst v21;
	v10 =	vmul.f32 $8.000000000e+00, v10  }
0xb3: {  	v47 =	vor.u32 v3, v14;
	[tilespmem:s0+$0x10] =	vst v46;
	v8 =	vld.idx.msk [tilespmem:v38+s13+$0x0], $0xffff;
	v49 =	vmul.f32 $8.000000000e+00, v19  }
0xb4: {  	v5 =	vor.u32 v3, v5;
	v7 =	vmul.f32 $8.000000000e+00, v7;
	[tilespmem:s0+$0xFFFFFF10] =	vst v10;
	v4 =	vld.idx.msk [tilespmem:v4+s13+$0x0], $0xffff  }
0xb5: {  	v52 =	vmul.f32 $8.000000000e+00, v22;
	[tilespmem:s0+$0x90] =	vst v49;
	v48 =	vld.idx.msk [tilespmem:v40+s13+$0x0], $0xffff  }
0xb6: {  	v51 =	vor.u32 v3, v16;
	[tilespmem:s31+$0xB0] =	vst v7;
	v7 =	vmul.f32 $8.000000000e+00, v43;
	v18 =	vld.idx.msk [tilespmem:v44+s13+$0x0], $0xffff  }
0xb7: {  	v54 =	vor.u32 v3, v17;
	v13 =	vld.idx.msk [tilespmem:v42+s13+$0x0], $0xffff;
	[tilespmem:s29+$0xFFFFFFA0] =	vst v52  }
0xb8: {  	v53 =	vor.u32 v3, v20;
	v11 =	vld.idx.msk [tilespmem:v47+s13+$0x0], $0xffff;
	[tilespmem:s29+$0x20] =	vst v7;
	v8 =	vmul.f32 $8.000000000e+00, v8  }
0xb9: {  	v57 =	vor.u32 v3, v9;
	v5 =	vld.idx.msk [tilespmem:v5+s13+$0x0], $0xffff;
	v4 =	vmul.f32 $8.000000000e+00, v4  }
0xba: {  	v55 =	vor.u32 v3, v12;
	[tilespmem:s29+$0xA0] =	vst v8;
	v56 =	vmul.f32 $8.000000000e+00, v48  }
0xbb: {  	v58 =	vld.idx.msk [tilespmem:v51+s13+$0x0], $0xffff;
	[tilespmem:s0+$0xFFFFFFA0] =	vst v4;
	v4 =	vmul.f32 $8.000000000e+00, v18  }
0xbc: {  	v59 =	vmul.f32 $8.000000000e+00, v13;
	[tilespmem:s0+$0xFFFFFF20] =	vst v56;
	v60 =	vld.idx.msk [tilespmem:v54+s13+$0x0], $0xffff  }
0xbd: {  	v6 =	vmul.f32 $8.000000000e+00, v6;
	v12 =	vld.idx.msk [tilespmem:v53+s13+$0x0], $0xffff;
	[tilespmem:s0+$0xA0] =	vst v4  }
0xbe: {  	v61 =	vmul.f32 $8.000000000e+00, v11;
	[tilespmem:s0+$0x20] =	vst v59;
	v4 =	vmul.f32 $8.000000000e+00, v5;
	v5 =	vld.idx.msk [tilespmem:v57+s13+$0x0], $0xffff  }
0xbf: {  	[tilespmem:s29+$0xFFFFFF30] =	vst v6;
	v7 =	vld.idx.msk [tilespmem:v55+s13+$0x0], $0xffff  }
0xc0: {  	[tilespmem:s29+$0xFFFFFFB0] =	vst v61;
	v62 =	vmul.f32 $8.000000000e+00, v58  }
0xc1: {  	[tilespmem:s29+$0x30] =	vst v4;
	v63 =	vmul.f32 $8.000000000e+00, v60  }
0xc2: {  	[tilespmem:s29+$0xB0] =	vst v62;
	v4 =	vmul.f32 $8.000000000e+00, v12  }
0xc3: {  	s2 =	sshll.u32 s25, $0x10;
	[tilespmem:s0+$0xFFFFFFB0] =	vst v63;
	v5 =	vmul.f32 $8.000000000e+00, v5  }
0xc4: {  	s2 =	sadd.s32 s8, s2;
	[tilespmem:s0+$0xFFFFFF30] =	vst v4;
	v4 =	vmul.f32 $8.000000000e+00, v7  }
0xc5: {  	s2 =	sshrl.u32 s2, $0x3;
	[tilespmem:s0+$0xB0] =	vst v5  }
0xc6: {  	s31 =	sadd.s32 s5, s2;
	[tilespmem:s0+$0x30] =	vst v4  }
0xc7: {  	[hbm4b:s31+s3] =	stream.linear.scatter [tilespmem:s22], [sflag:$0x3], $0x8000, $0x38;
	[tilespmem:$0x18400] =	vst v63  }
0xc8: {  	_ =	swait.ge [sflag:s10], $0x8000  }
0xc9: {  	[sflag:s10] =	ssyncset.done $0x0  }
0xca: {  	[sflag:s10] =	ssyncadd.s32 $0xFFFF8000  }
0xcb: {  	p0 =	seq.s32 s25, $0x31;
	_ =	swait.ge [sflag:s23], $0x4000  }
.Ltmp1:
0xcc: {  	[sflag:s23] =	ssyncset.done $0x0;
	(pc) =	sbr.rel @p0 .LBB2_6-.Ltmp1, $4  }
0xcd: {  	[sflag:s23] =	ssyncadd.s32 $0xFFFFC000  }
0xce: {  	_ =	swait.ge [sflag:s23], $0x4000  }
0xcf: {  	[sflag:s23] =	ssyncset.done $0x0  }
0xd0: {  	[sflag:s23] =	ssyncadd.s32 $0xFFFFC000  }
0xd1: {  	s0 =	sadd.s32 $0x200, s28  }
0xd2: {  	s2 =	sadd.s32 s6, s0  }
0xd3: {  	s0 =	sand.u32 $0x200, s0;
	s2 =	sand.u32 $0x1FFC00, s2  }
0xd4: {  	s0 =	sor.u32 s0, s2  }
0xd5: {  	s0 =	sshrl.u32 s0, $0x3  }
0xd6: {  	s0 =	sadd.s32 s1, s0  }
0xd7: {  	[tilespmem:s3], [sflag:$0x3] =	stream.linear.gather [hbm4b:s0+s3], $0x100, $0x38;
	[tilespmem:$0x18400] =	vst v63  }
0xd8: {  	_ =	swait.ge [sflag:s10], $0x100  }
0xd9: {  	[sflag:s10] =	ssyncset.done $0x0  }
0xda: {  	[sflag:s10] =	ssyncadd.s32 $0xFFFFFF00  }
0xdb: {  	v4 =	vld [tilespmem:$0x0]  }
0xdc: {  	v5 =	vld [tilespmem:$0x10]  }
0xdd: {  	v6 =	vld [tilespmem:$0x20]  }
0xde: {  	v7 =	vld [tilespmem:$0x30]  }
0xdf: {  	v8 =	vld [tilespmem:$0x40]  }
0xe0: {  	v9 =	vld [tilespmem:$0x50];
	v4 =	vshra.s32 v4, $0x1  }
0xe1: {  	[tilespmem:$0x200] =	vst v4;
	v4 =	vshra.s32 v5, $0x1;
	v5 =	vld [tilespmem:$0x60]  }
0xe2: {  	v56 =	vld [tilespmem:$0x70];
	[tilespmem:$0x210] =	vst v4;
	v4 =	vshra.s32 v6, $0x1  }
0xe3: {  	v57 =	vld [tilespmem:$0x80];
	[tilespmem:$0x220] =	vst v4;
	v4 =	vshra.s32 v7, $0x1  }
0xe4: {  	v58 =	vld [tilespmem:$0x90];
	[tilespmem:$0x230] =	vst v4;
	v4 =	vshra.s32 v8, $0x1  }
0xe5: {  	v59 =	vld [tilespmem:$0xA0];
	[tilespmem:$0x240] =	vst v4;
	v4 =	vshra.s32 v9, $0x1  }
0xe6: {  	[tilespmem:$0x250] =	vst v4;
	v4 =	vshra.s32 v5, $0x1;
	v5 =	vld [tilespmem:$0xB0]  }
0xe7: {  	v60 =	vld [tilespmem:$0xC0];
	[tilespmem:$0x260] =	vst v4;
	v4 =	vshra.s32 v56, $0x1  }
0xe8: {  	v61 =	vld [tilespmem:$0xD0];
	[tilespmem:$0x270] =	vst v4;
	v4 =	vshra.s32 v57, $0x1  }
0xe9: {  	v62 =	vld [tilespmem:$0xE0];
	[tilespmem:$0x280] =	vst v4;
	v4 =	vshra.s32 v58, $0x1  }
0xea: {  	v63 =	vld [tilespmem:$0xF0];
	[tilespmem:$0x290] =	vst v4;
	v4 =	vshra.s32 v59, $0x1  }
0xeb: {  	[tilespmem:$0x2A0] =	vst v4;
	v4 =	vshra.s32 v5, $0x1  }
0xec: {  	[tilespmem:$0x2B0] =	vst v4;
	v4 =	vshra.s32 v60, $0x1  }
0xed: {  	[tilespmem:$0x2C0] =	vst v4;
	v4 =	vshra.s32 v61, $0x1  }
0xee: {  	[tilespmem:$0x2D0] =	vst v4;
	v4 =	vshra.s32 v62, $0x1  }
0xef: {  	[tilespmem:$0x2E0] =	vst v4;
	v4 =	vshra.s32 v63, $0x1  }
0xf0: {  	[tilespmem:$0x2F0] =	vst v4  }
0xf1: {  	[tilespmem:s13], [sflag:$0x1] =	stream.indirect.gather [hbm4b:s4+s11], $0x80, s12, s11, $0xb8;
	[tilespmem:$0x18400] =	vst v63  }
0xf2: {  	_ = 	snop  }
0xf3: {  	[tilespmem:s15], [sflag:$0x1] =	stream.indirect.gather [hbm4b:s4+s11], $0x80, s14, s11, $0xb8;
	[tilespmem:$0x18400] =	vst v63  }
.LBB2_6:
0xf4: {  	s0 =	simm.s32 $0x1  }
0xf5: {  	s7 =	simm.s32 $0x3;
	s2 =	sand.u32 $0x7D, s0  }
0xf6: {  	s9 =	sand.u32 $0x7F, s7;
	v4 =	vmov s2  }
0xf7: {  	v5 =	vmov s9;
	v4 =	vor.u32 $0x100, v4  }
0xf8: {  	v6 =	vmov s0;
	s0 =	simm.s32 $0x2;
	v5 =	vor.u32 $0x100, v5;
	v4 =	vbroadcast v4, $0x0  }
0xf9: {  	v8 =	vmov s7;
	s2 =	simm.s32 $0x0;
	v7 =	vand.u32 $0x80, v6;
	s9 =	sand.u32 $0x7E, s0;
	v5 =	vbroadcast v5, $0x0  }
0xfa: {  	v9 =	vand.u32 $0x80, v8;
	s24 =	sand.u32 $0x7C, s2;
	v4 =	vor.u32 v7, v4;
	v7 =	vmov s9  }
0xfb: {  	v10 =	vmov s24;
	v5 =	vor.u32 v9, v5;
	v7 =	vor.u32 $0x100, v7  }
0xfc: {  	v10 =	vor.u32 $0x100, v10;
	v9 =	vmov s0;
	v7 =	vbroadcast v7, $0x0  }
0xfd: {  	v12 =	vmov s2;
	v10 =	vbroadcast v10, $0x0;
	v11 =	vand.u32 $0x80, v9  }
0xfe: {  	v7 =	vor.u32 v11, v7;
	v11 =	vand.u32 $0x80, v12  }
0xff: {  	v10 =	vor.u32 v11, v10  }
0x100: {  	v5 =	vld.idx.msk [tilespmem:v5+s3+$0x0], $0xffff;
	_ =	sdelay $0x1  }
0x101: {  	v4 =	vld.idx.msk [tilespmem:v4+s3+$0x0], $0xffff  }
0x102: {  	s9 =	simm.s32 $0x5;
	v7 =	vld.idx.msk [tilespmem:v7+s3+$0x0], $0xffff  }
0x103: {  	v6 =	vshll.u32 v6, $0x7;
	v8 =	vshll.u32 v8, $0x7;
	s0 =	simm.s32 $0x6;
	s24 =	sand.u32 $0x7D, s9;
	v9 =	vshll.u32 v9, $0x7;
	v10 =	vld.idx.msk [tilespmem:v10+s3+$0x0], $0xffff  }
0x104: {  	v15 =	vmov s0;
	v13 =	vmov s24;
	v5 =	vshll.u32 v5, $0x6  }
0x105: {  	v13 =	vor.u32 $0x100, v13;
	v11 =	vshll.u32 v12, $0x7;
	v5 =	vand.u32 $0x40, v5  }
0x106: {  	v12 =	vmov s9;
	v4 =	vshll.u32 v4, $0x6;
	v18 =	vor.u32 v8, v5  }
0x107: {  	v4 =	vand.u32 $0x40, v4;
	v8 =	vor.u32 v0, v18;
	v5 =	vshll.u32 v7, $0x6  }
0x108: {  	v7 =	vand.u32 $0x40, v5;
	v5 =	vor.u32 v6, v4;
	v4 =	vshll.u32 v10, $0x6  }
0x109: {  	s7 =	sand.u32 $0x7E, s0;
	v10 =	vor.u32 v0, v5;
	v6 =	vor.u32 v9, v7;
	v4 =	vand.u32 $0x40, v4  }
0x10a: {  	s9 =	simm.s32 $0x7;
	v9 =	vmov s7;
	v14 =	vor.u32 v0, v6;
	v7 =	vor.u32 v11, v4  }
0x10b: {  	v13 =	vbroadcast v13, $0x0;
	s24 =	sand.u32 $0x7F, s9;
	v9 =	vor.u32 $0x100, v9;
	v11 =	vor.u32 v0, v7  }
0x10c: {  	v16 =	vmov s24;
	v4 =	vand.u32 $0x80, v12;
	v9 =	vbroadcast v9, $0x0;
	v8 =	vld.idx.msk [tilespmem:v8+s19+$0x0], $0xffff  }
0x10d: {  	v16 =	vor.u32 $0x100, v16;
	v4 =	vor.u32 v4, v13;
	v13 =	vand.u32 $0x80, v15  }
0x10e: {  	v16 =	vbroadcast v16, $0x0;
	s7 =	simm.s32 $0x4;
	v9 =	vor.u32 v13, v9;
	v13 =	vmov s9;
	v10 =	vld.idx.msk [tilespmem:v10+s19+$0x0], $0xffff  }
0x10f: {  	v19 =	vor.u32 v1, v18;
	s9 =	sand.u32 $0x7C, s7;
	v17 =	vand.u32 $0x80, v13;
	v14 =	vld.idx.msk [tilespmem:v14+s19+$0x0], $0xffff  }
0x110: {  	v20 =	vmov s9;
	v16 =	vor.u32 v17, v16;
	v11 =	vld.idx.msk [tilespmem:v11+s19+$0x0], $0xffff  }
0x111: {  	v17 =	vor.u32 $0x100, v20;
	v20 =	vor.u32 v1, v5;
	v8 =	vmul.f32 $8.000000000e+00, v8  }
0x112: {  	s28 =	simm.s32 $0x10500;
	v21 =	vmov s7;
	v22 =	vor.u32 v1, v6;
	v4 =	vld.idx.msk [tilespmem:v4+s3+$0x0], $0xffff;
	v17 =	vbroadcast v17, $0x0  }
0x113: {  	s24 =	simm.s32 $0x9;
	v23 =	vand.u32 $0x80, v21;
	v24 =	vor.u32 v1, v7;
	v9 =	vld.idx.msk [tilespmem:v9+s3+$0x0], $0xffff;
	[tilespmem:s28+$0x80] =	vst v8;
	v10 =	vmul.f32 $8.000000000e+00, v10  }
0x114: {  	v25 =	vor.u32 v2, v5;
	s7 =	sand.u32 $0x7D, s24;
	v17 =	vor.u32 v23, v17;
	v19 =	vld.idx.msk [tilespmem:v19+s19+$0x0], $0xffff;
	v14 =	vmul.f32 $8.000000000e+00, v14  }
0x115: {  	v12 =	vshll.u32 v12, $0x7;
	v8 =	vmov s7;
	[tilespmem:s28+$0xFFFFFF80] =	vst v10;
	v10 =	vld.idx.msk [tilespmem:v16+s3+$0x0], $0xffff;
	v11 =	vmul.f32 $8.000000000e+00, v11  }
0x116: {  	v27 =	vor.u32 v2, v6;
	v26 =	vor.u32 v2, v7;
	v16 =	vor.u32 $0x100, v8;
	[tilespmem:s28+$0x0] =	vst v14;
	v14 =	vld.idx.msk [tilespmem:v20+s19+$0x0], $0xffff  }
0x117: {  	v13 =	vshll.u32 v13, $0x7;
	v8 =	vmov s24;
	v16 =	vbroadcast v16, $0x0;
	[tilespmem:s28+$0xFFFFFF00] =	vst v11;
	v11 =	vld.idx.msk [tilespmem:v22+s19+$0x0], $0xffff  }
0x118: {  	v20 =	vshll.u32 v15, $0x7;
	v15 =	vand.u32 $0x80, v8;
	v22 =	vor.u32 v2, v18;
	v23 =	vld.idx.msk [tilespmem:v24+s19+$0x0], $0xffff  }
0x119: {  	v4 =	vshll.u32 v4, $0x6;
	v9 =	vshll.u32 v9, $0x6;
	v63 =	vor.u32 v15, v16;
	v16 =	vld.idx.msk [tilespmem:v17+s3+$0x0], $0xffff  }
0x11a: {  	v17 =	vand.u32 $0x40, v4;
	v4 =	vmul.f32 $8.000000000e+00, v19;
	v10 =	vshll.u32 v10, $0x6  }
0x11b: {  	v28 =	vand.u32 $0x40, v9;
	v10 =	vand.u32 $0x40, v10;
	v19 =	vmul.f32 $8.000000000e+00, v14  }
0x11c: {  	v9 =	vor.u32 v12, v17;
	[tilespmem:s28+$0x90] =	vst v4;
	v4 =	vor.u32 v13, v10;
	v11 =	vmul.f32 $8.000000000e+00, v11  }
0x11d: {  	v21 =	vshll.u32 v21, $0x7;
	s9 =	simm.s32 $0xA;
	v15 =	vld.idx.msk [tilespmem:v22+s19+$0x0], $0xffff;
	v10 =	vor.u32 v20, v28;
	v14 =	vor.u32 v0, v4;
	[tilespmem:s28+$0xFFFFFF90] =	vst v19  }
0x11e: {  	s24 =	sand.u32 $0x7E, s9;
	v12 =	vmul.f32 $8.000000000e+00, v23;
	v13 =	vshll.u32 v16, $0x6;
	v16 =	vor.u32 v0, v9;
	v19 =	vld.idx.msk [tilespmem:v25+s19+$0x0], $0xffff;
	[tilespmem:s28+$0x10] =	vst v11  }
0x11f: {  	v17 =	vor.u32 v0, v10;
	v11 =	vmov s24;
	v13 =	vand.u32 $0x40, v13;
	v22 =	vld.idx.msk [tilespmem:v27+s19+$0x0], $0xffff  }
0x120: {  	s30 =	simm.s32 $0x8;
	v18 =	vor.u32 v3, v18;
	[tilespmem:s28+$0xFFFFFF10] =	vst v12;
	v20 =	vor.u32 $0x100, v11;
	v11 =	vor.u32 v21, v13;
	v12 =	vld.idx.msk [tilespmem:v63+s3+$0x0], $0xffff  }
0x121: {  	s31 =	simm.s32 $0xC;
	s29 =	simm.s32 $0x10500;
	s0 =	simm.s32 $0xB;
	v13 =	vmov s9;
	v21 =	vld.idx.msk [tilespmem:v26+s19+$0x0], $0xffff;
	v23 =	vbroadcast v20, $0x0;
	v20 =	vor.u32 v0, v11  }
.LBB2_7:
0x122: {  	p0 =	slt.u32 s31, $0xFC;
	v24 =	vand.u32 $0x80, v13;
	s2 =	sand.u32 $0x7F, s0;
	v14 =	vld.idx.msk [tilespmem:v14+s19+$0x0], $0xffff;
	v25 =	vor.u32 v3, v5;
	v15 =	vmul.f32 $8.000000000e+00, v15;
	v5 =	vmovc v9  }
0x123: {  	v9 =	vor.u32 v24, v23;
	v23 =	vmov s2;
	v16 =	vld.idx.msk [tilespmem:v16+s19+$0x0], $0xffff;
	v24 =	vor.u32 v3, v6;
	v6 =	vmovc v10  }
0x124: {  	v19 =	vmul.f32 $8.000000000e+00, v19;
	v10 =	vor.u32 $0x100, v23;
	v17 =	vld.idx.msk [tilespmem:v17+s19+$0x0], $0xffff;
	v23 =	vor.u32 v3, v7;
	[tilespmem:s28+$0xA0] =	vst v15;
	v7 =	vmovc v11  }
0x125: {  	v11 =	vmov s0;
	v15 =	vmul.f32 $8.000000000e+00, v22;
	v10 =	vbroadcast v10, $0x0;
	v18 =	vld.idx.msk [tilespmem:v18+s19+$0x0], $0xffff  }
0x126: {  	v26 =	vor.u32 v1, v4;
	s0 =	sand.u32 $0x7C, s30;
	v22 =	vand.u32 $0x80, v11;
	v21 =	vmul.f32 $8.000000000e+00, v21;
	v20 =	vld.idx.msk [tilespmem:v20+s19+$0x0], $0xffff;
	[tilespmem:s28+$0xFFFFFFA0] =	vst v19  }
0x127: {  	v27 =	vmov s0;
	v19 =	vmov s30;
	s30 =	smov.u32 s31;
	v10 =	vor.u32 v22, v10;
	v22 =	vld.idx.msk [tilespmem:v25+s19+$0x0], $0xffff;
	[tilespmem:s28+$0x20] =	vst v15  }
0x128: {  	v15 =	vor.u32 $0x100, v27;
	v25 =	vor.u32 v1, v5;
	v14 =	vmul.f32 $8.000000000e+00, v14;
	[tilespmem:s28+$0xFFFFFF20] =	vst v21;
	v21 =	vld.idx.msk [tilespmem:v24+s19+$0x0], $0xffff  }
0x129: {  	v15 =	vbroadcast v15, $0x0;
	v16 =	vmul.f32 $8.000000000e+00, v16;
	v24 =	vor.u32 v1, v6;
	s28 =	sadd.s32 $0x200, s28;
	v23 =	vld.idx.msk [tilespmem:v23+s19+$0x0], $0xffff  }
0x12a: {  	s0 =	sadd.s32 $0x1, s31;
	v28 =	vor.u32 v1, v7;
	v27 =	vand.u32 $0x80, v19;
	v17 =	vmul.f32 $8.000000000e+00, v17;
	v9 =	vld.idx.msk [tilespmem:v9+s3+$0x0], $0xffff;
	[tilespmem:s28+$0x80] =	vst v14  }
0x12b: {  	s2 =	sand.u32 $0x7D, s0;
	v14 =	vor.u32 v27, v15;
	v27 =	vshll.u32 v19, $0x7;
	[tilespmem:s28+$0xFFFFFF80] =	vst v16;
	v15 =	vld.idx.msk [tilespmem:v26+s19+$0x0], $0xffff;
	v16 =	vmul.f32 $8.000000000e+00, v18  }
0x12c: {  	v19 =	vmov s2;
	v18 =	vmov s0;
	v20 =	vmul.f32 $8.000000000e+00, v20;
	v10 =	vld.idx.msk [tilespmem:v10+s3+$0x0], $0xffff;
	[tilespmem:s28+$0x0] =	vst v17  }
0x12d: {  	v17 =	vor.u32 $0x100, v19;
	v19 =	vshll.u32 v8, $0x7;
	v22 =	vmul.f32 $8.000000000e+00, v22;
	v8 =	vmovc v18;
	v25 =	vld.idx.msk [tilespmem:v25+s19+$0x0], $0xffff;
	[tilespmem:s29+$0xB0] =	vst v16  }
0x12e: {  	v13 =	vshll.u32 v13, $0x7;
	v16 =	vbroadcast v17, $0x0;
	v18 =	vmul.f32 $8.000000000e+00, v21;
	[tilespmem:s28+$0xFFFFFF00] =	vst v20;
	v17 =	vld.idx.msk [tilespmem:v24+s19+$0x0], $0xffff  }
0x12f: {  	v20 =	vand.u32 $0x80, v8;
	v24 =	vor.u32 v2, v4;
	v23 =	vmul.f32 $8.000000000e+00, v23;
	v21 =	vld.idx.msk [tilespmem:v28+s19+$0x0], $0xffff;
	[tilespmem:s29+$0xFFFFFFB0] =	vst v22  }
0x130: {  	v12 =	vshll.u32 v12, $0x6;
	v20 =	vor.u32 v20, v16;
	v9 =	vshll.u32 v9, $0x6;
	v16 =	vld.idx.msk [tilespmem:v14+s3+$0x0], $0xffff;
	[tilespmem:s29+$0x30] =	vst v18  }
0x131: {  	v12 =	vand.u32 $0x40, v12;
	v18 =	vor.u32 v2, v5;
	v14 =	vmul.f32 $8.000000000e+00, v15;
	[tilespmem:s29+$0xFFFFFF30] =	vst v23;
	s29 =	smov.u32 s28  }
0x132: {  	v22 =	vor.u32 v2, v6;
	v10 =	vshll.u32 v10, $0x6;
	v23 =	vor.u32 v2, v7  }
0x133: {  	v11 =	vshll.u32 v11, $0x7;
	v10 =	vand.u32 $0x40, v10;
	v25 =	vmul.f32 $8.000000000e+00, v25;
	[tilespmem:s28+$0x90] =	vst v14  }
0x134: {  	v26 =	vand.u32 $0x40, v9;
	v28 =	vor.u32 v11, v10;
	v11 =	vmul.f32 $8.000000000e+00, v17;
	v15 =	vld.idx.msk [tilespmem:v24+s19+$0x0], $0xffff  }
.Ltmp2:
0x135: {  	s0 =	sadd.s32 $0x2, s31;
	v9 =	vor.u32 v19, v12;
	v14 =	vor.u32 v0, v28;
	v12 =	vmul.f32 $8.000000000e+00, v21;
	[tilespmem:s28+$0xFFFFFF90] =	vst v25;
	(pc) =	sbr.rel @p0 .LBB2_7-.Ltmp2, $4  }
0x136: {  	s2 =	sand.u32 $0x7E, s0;
	v10 =	vor.u32 v13, v26;
	v17 =	vshll.u32 v16, $0x6;
	v16 =	vor.u32 v0, v9;
	v19 =	vld.idx.msk [tilespmem:v18+s19+$0x0], $0xffff;
	[tilespmem:s28+$0x10] =	vst v11  }
0x137: {  	v11 =	vmov s2;
	v13 =	vand.u32 $0x40, v17;
	v17 =	vor.u32 v0, v10;
	[tilespmem:s28+$0xFFFFFF10] =	vst v12;
	v22 =	vld.idx.msk [tilespmem:v22+s19+$0x0], $0xffff  }
0x138: {  	v18 =	vor.u32 v3, v4;
	v4 =	vmovc v28;
	v24 =	vor.u32 $0x100, v11;
	v11 =	vor.u32 v27, v13;
	v21 =	vld.idx.msk [tilespmem:v23+s19+$0x0], $0xffff  }
0x139: {  	s31 =	sadd.s32 $0x4, s31;
	v13 =	vmov s0;
	s0 =	sadd.s32 $0x3, s30;
	v23 =	vbroadcast v24, $0x0;
	v12 =	vld.idx.msk [tilespmem:v20+s3+$0x0], $0xffff;
	v20 =	vor.u32 v0, v11  }
0x13a: {  	s2 =	sand.u32 $0x7F, s0  }
0x13b: {  	v24 =	vmov s2  }
0x13c: {  	v24 =	vor.u32 $0x100, v24  }
0x13d: {  	v25 =	vmov s0;
	s24 =	sand.u32 $0x7C, s30;
	v24 =	vbroadcast v24, $0x0  }
0x13e: {  	v26 =	vand.u32 $0x80, v25;
	v27 =	vmov s24  }
0x13f: {  	v49 =	vor.u32 $0x100, v27;
	v24 =	vor.u32 v26, v24  }
0x140: {  	v28 =	vand.u32 $0x80, v13;
	v50 =	vmov s30;
	v26 =	vbroadcast v49, $0x0  }
0x141: {  	v23 =	vor.u32 v28, v23;
	v51 =	vand.u32 $0x80, v50  }
0x142: {  	v26 =	vor.u32 v51, v26;
	_ =	sdelay $0x1  }
0x143: {  	v24 =	vld.idx.msk [tilespmem:v24+s3+$0x0], $0xffff  }
0x144: {  	v5 =	vor.u32 v3, v5  }
0x145: {  	v15 =	vmul.f32 $8.000000000e+00, v15;
	v6 =	vor.u32 v3, v6;
	v7 =	vor.u32 v3, v7;
	v23 =	vld.idx.msk [tilespmem:v23+s3+$0x0], $0xffff  }
0x146: {  	v8 =	vshll.u32 v8, $0x7;
	v52 =	vshll.u32 v13, $0x7;
	v61 =	vor.u32 v1, v4;
	v26 =	vld.idx.msk [tilespmem:v26+s3+$0x0], $0xffff  }
0x147: {  	v14 =	vld.idx.msk [tilespmem:v14+s19+$0x0], $0xffff;
	v19 =	vmul.f32 $8.000000000e+00, v19;
	v25 =	vshll.u32 v25, $0x7;
	v12 =	vshll.u32 v12, $0x6  }
0x148: {  	v16 =	vld.idx.msk [tilespmem:v16+s19+$0x0], $0xffff;
	v22 =	vmul.f32 $8.000000000e+00, v22;
	v12 =	vand.u32 $0x40, v12;
	v24 =	vshll.u32 v24, $0x6  }
0x149: {  	v17 =	vld.idx.msk [tilespmem:v17+s19+$0x0], $0xffff;
	v21 =	vmul.f32 $8.000000000e+00, v21;
	v8 =	vor.u32 v8, v12;
	v24 =	vand.u32 $0x40, v24  }
0x14a: {  	v20 =	vld.idx.msk [tilespmem:v20+s19+$0x0], $0xffff;
	[tilespmem:s28+$0xFFFFFFA0] =	vst v19;
	v57 =	vor.u32 v0, v8;
	v23 =	vshll.u32 v23, $0x6;
	v54 =	vor.u32 v25, v24  }
0x14b: {  	[tilespmem:s28+$0xA0] =	vst v15;
	v5 =	vld.idx.msk [tilespmem:v5+s19+$0x0], $0xffff;
	v53 =	vand.u32 $0x40, v23;
	v56 =	vshll.u32 v26, $0x6;
	v55 =	vor.u32 v0, v54  }
0x14c: {  	v27 =	vshll.u32 v50, $0x7;
	v18 =	vld.idx.msk [tilespmem:v18+s19+$0x0], $0xffff;
	[tilespmem:s28+$0x20] =	vst v22;
	v13 =	vor.u32 v52, v53;
	v58 =	vand.u32 $0x40, v56  }
0x14d: {  	v14 =	vmul.f32 $8.000000000e+00, v14;
	[tilespmem:s28+$0xFFFFFF20] =	vst v21;
	v6 =	vld.idx.msk [tilespmem:v6+s19+$0x0], $0xffff;
	v59 =	vor.u32 v0, v13;
	v15 =	vor.u32 v27, v58  }
0x14e: {  	s30 =	sadd.s32 $0x200, s28;
	v16 =	vmul.f32 $8.000000000e+00, v16;
	v7 =	vld.idx.msk [tilespmem:v7+s19+$0x0], $0xffff;
	v60 =	vor.u32 v0, v15  }
0x14f: {  	v62 =	vor.u32 v1, v9;
	v17 =	vmul.f32 $8.000000000e+00, v17;
	[tilespmem:s30+$0x80] =	vst v14;
	v26 =	vld.idx.msk [tilespmem:v57+s19+$0x0], $0xffff  }
0x150: {  	[tilespmem:s30+$0xFFFFFF80] =	vst v16;
	v5 =	vmul.f32 $8.000000000e+00, v5;
	v25 =	vor.u32 v1, v10;
	v12 =	vld.idx.msk [tilespmem:v55+s19+$0x0], $0xffff  }
0x151: {  	v20 =	vmul.f32 $8.000000000e+00, v20;
	[tilespmem:s30+$0x0] =	vst v17;
	v31 =	vld.idx.msk [tilespmem:v61+s19+$0x0], $0xffff;
	v27 =	vor.u32 v1, v11  }
0x152: {  	v6 =	vmul.f32 $8.000000000e+00, v6;
	[tilespmem:s29+$0xFFFFFFB0] =	vst v5;
	v5 =	vor.u32 v1, v8;
	v28 =	vld.idx.msk [tilespmem:v59+s19+$0x0], $0xffff  }
0x153: {  	[tilespmem:s30+$0xFFFFFF00] =	vst v20;
	v7 =	vmul.f32 $8.000000000e+00, v7;
	v30 =	vor.u32 v1, v54;
	v29 =	vld.idx.msk [tilespmem:v60+s19+$0x0], $0xffff  }
0x154: {  	v36 =	vor.u32 v2, v4;
	v14 =	vld.idx.msk [tilespmem:v62+s19+$0x0], $0xffff;
	[tilespmem:s29+$0x30] =	vst v6;
	v34 =	vmul.f32 $8.000000000e+00, v26  }
0x155: {  	s28 =	sadd.s32 $0x200, s30;
	v63 =	vmul.f32 $8.000000000e+00, v18;
	[tilespmem:s29+$0xFFFFFF30] =	vst v7;
	v33 =	vor.u32 v1, v13;
	v18 =	vld.idx.msk [tilespmem:v25+s19+$0x0], $0xffff;
	v32 =	vmul.f32 $8.000000000e+00, v12  }
0x156: {  	v39 =	vmul.f32 $8.000000000e+00, v31;
	v35 =	vor.u32 v1, v15;
	v19 =	vld.idx.msk [tilespmem:v27+s19+$0x0], $0xffff;
	[tilespmem:s28+$0xFFFFFF80] =	vst v34  }
0x157: {  	v37 =	vor.u32 v2, v9;
	v16 =	vmul.f32 $8.000000000e+00, v28;
	v5 =	vld.idx.msk [tilespmem:v5+s19+$0x0], $0xffff;
	[tilespmem:s28+$0x80] =	vst v32  }
0x158: {  	v40 =	vor.u32 v2, v10;
	[tilespmem:s30+$0x90] =	vst v39;
	v20 =	vmul.f32 $8.000000000e+00, v29;
	v38 =	vld.idx.msk [tilespmem:v30+s19+$0x0], $0xffff  }
0x159: {  	v41 =	vor.u32 v2, v11;
	v14 =	vmul.f32 $8.000000000e+00, v14;
	v21 =	vld.idx.msk [tilespmem:v36+s19+$0x0], $0xffff;
	[tilespmem:s28+$0x0] =	vst v16  }
0x15a: {  	v43 =	vor.u32 v2, v8;
	v18 =	vmul.f32 $8.000000000e+00, v18;
	v12 =	vld.idx.msk [tilespmem:v33+s19+$0x0], $0xffff;
	[tilespmem:s28+$0xFFFFFF00] =	vst v20  }
0x15b: {  	[tilespmem:s30+$0xFFFFFF90] =	vst v14;
	v42 =	vor.u32 v2, v54;
	v19 =	vmul.f32 $8.000000000e+00, v19;
	v17 =	vld.idx.msk [tilespmem:v35+s19+$0x0], $0xffff  }
0x15c: {  	v4 =	vor.u32 v3, v4;
	v6 =	vld.idx.msk [tilespmem:v37+s19+$0x0], $0xffff;
	[tilespmem:s30+$0x10] =	vst v18;
	v5 =	vmul.f32 $8.000000000e+00, v5  }
0x15d: {  	v44 =	vor.u32 v2, v13;
	v45 =	vld.idx.msk [tilespmem:v40+s19+$0x0], $0xffff;
	[tilespmem:s30+$0xFFFFFF10] =	vst v19;
	v7 =	vmul.f32 $8.000000000e+00, v38  }
0x15e: {  	v46 =	vor.u32 v2, v15;
	v16 =	vld.idx.msk [tilespmem:v41+s19+$0x0], $0xffff;
	[tilespmem:s28+$0xFFFFFF90] =	vst v5;
	v5 =	vmul.f32 $8.000000000e+00, v21  }
0x15f: {  	v47 =	vmul.f32 $8.000000000e+00, v12;
	v14 =	vld.idx.msk [tilespmem:v43+s19+$0x0], $0xffff;
	[tilespmem:s28+$0x90] =	vst v7  }
0x160: {  	v50 =	vor.u32 v3, v10;
	[tilespmem:s30+$0xA0] =	vst v5;
	v17 =	vmul.f32 $8.000000000e+00, v17;
	v49 =	vld.idx.msk [tilespmem:v42+s19+$0x0], $0xffff  }
0x161: {  	v51 =	vor.u32 v3, v11;
	v6 =	vmul.f32 $8.000000000e+00, v6;
	[tilespmem:s28+$0x10] =	vst v47;
	v4 =	vld.idx.msk [tilespmem:v4+s19+$0x0], $0xffff  }
0x162: {  	v48 =	vor.u32 v3, v9;
	v5 =	vmul.f32 $8.000000000e+00, v45;
	v52 =	vld.idx.msk [tilespmem:v44+s19+$0x0], $0xffff;
	[tilespmem:s28+$0xFFFFFF10] =	vst v17  }
0x163: {  	v53 =	vor.u32 v3, v54;
	[tilespmem:s30+$0xFFFFFFA0] =	vst v6;
	v16 =	vmul.f32 $8.000000000e+00, v16;
	v17 =	vld.idx.msk [tilespmem:v46+s19+$0x0], $0xffff  }
0x164: {  	v54 =	vor.u32 v3, v8;
	[tilespmem:s30+$0x20] =	vst v5;
	v58 =	vmul.f32 $8.000000000e+00, v14  }
0x165: {  	v56 =	vor.u32 v3, v13;
	v10 =	vld.idx.msk [tilespmem:v50+s19+$0x0], $0xffff;
	[tilespmem:s30+$0xFFFFFF20] =	vst v16;
	v5 =	vmul.f32 $8.000000000e+00, v49  }
0x166: {  	v57 =	vor.u32 v3, v15;
	v7 =	vld.idx.msk [tilespmem:v51+s19+$0x0], $0xffff;
	[tilespmem:s28+$0xFFFFFFA0] =	vst v58;
	v4 =	vmul.f32 $8.000000000e+00, v4  }
0x167: {  	v55 =	vld.idx.msk [tilespmem:v48+s19+$0x0], $0xffff;
	[tilespmem:s28+$0xA0] =	vst v5;
	v5 =	vmul.f32 $8.000000000e+00, v52  }
0x168: {  	[tilespmem:s30+$0xB0] =	vst v4;
	v60 =	vmul.f32 $8.000000000e+00, v17;
	v59 =	vld.idx.msk [tilespmem:v53+s19+$0x0], $0xffff  }
0x169: {  	v6 =	vld.idx.msk [tilespmem:v54+s19+$0x0], $0xffff;
	[tilespmem:s28+$0x20] =	vst v5  }
0x16a: {  	v4 =	vmul.f32 $8.000000000e+00, v10;
	[tilespmem:s28+$0xFFFFFF20] =	vst v60;
	v61 =	vld.idx.msk [tilespmem:v56+s19+$0x0], $0xffff  }
0x16b: {  	[tilespmem:s29+$0xB0] =	vst v63;
	v7 =	vmul.f32 $8.000000000e+00, v7;
	v62 =	vld.idx.msk [tilespmem:v57+s19+$0x0], $0xffff  }
0x16c: {  	[tilespmem:s30+$0x30] =	vst v4;
	v5 =	vmul.f32 $8.000000000e+00, v55  }
0x16d: {  	[tilespmem:s30+$0xFFFFFF30] =	vst v7;
	v4 =	vmul.f32 $8.000000000e+00, v59  }
0x16e: {  	[tilespmem:s30+$0xFFFFFFB0] =	vst v5;
	v5 =	vmul.f32 $8.000000000e+00, v6  }
0x16f: {  	s31 =	sshll.u32 s26, $0xF;
	[tilespmem:s28+$0xB0] =	vst v4;
	v4 =	vmul.f32 $8.000000000e+00, v61  }
0x170: {  	s25 =	sadd.s32 $0x1, s25;
	s0 =	sadd.s32 s8, s31;
	[tilespmem:s28+$0xFFFFFFB0] =	vst v5;
	v63 =	vmul.f32 $8.000000000e+00, v62  }
0x171: {  	p0 =	sne.s32 s25, $0x32;
	s0 =	sshrl.u32 s0, $0x3;
	[tilespmem:s28+$0x30] =	vst v4  }
.Ltmp3:
0x172: {  	s0 =	sadd.s32 s5, s0;
	[tilespmem:s28+$0xFFFFFF30] =	vst v63;
	(pc) =	sbr.rel @p0 .LBB2_2-.Ltmp3, $4  }
0x173: {  	[hbm4b:s0+s3] =	stream.linear.scatter [tilespmem:s22], [sflag:$0x3], $0x8000, $0x38;
	[tilespmem:$0x18400] =	vst v63  }
0x174: {  	_ =	swait.ge [sflag:s10], $0x8000  }
0x175: {  	[sflag:s10] =	ssyncset.done $0x0  }
0x176: {  	[sflag:s10] =	ssyncadd.s32 $0xFFFF8000  }
0x177: {  	s2 =	rddreg [dreg:$0x5]  }
0x178: {  	s0 =	rddreg [dreg:$0x4];
	s2 =	sadd.s32 $0x1, s2  }
0x179: {  	p0 =	sne.s32 s2, s0  }
.Ltmp4:
0x17a: {  	_ = 	snop;
	(pc) =	sbr.rel @p0 .LBB2_1-.Ltmp4, $1  }
0x17b: {  	_ =	sdelay $0x3  }
0x17c: {  	_ =	sfence.sel $0x180000  }
0x17d: {  	[bflag:$0x0] =	sbarrier.arrive $0xFFFF  }
0x17e: {  	_ =	strace $0x90000047  }
0x17f: {  	s0 =	stileid.u32;
	[bflag:$0x2] =	sbarrier.arrive $0xFFFF  }
0x180: {  	p0 =	sne.s32 s0, $0x0;
	s0 =	rddreg [dreg:$0x2]  }
0x181: {  	s0 =	sadd.s32 @!p0 $0x100000, s0  }
0x182: {  	[sflag:s0] =	ssyncadd.tile.s32 @!p0 $0x1;
	_ =	shalt  }
.Lfunc_end2:
_tile_overlayer_lowered:
.L_overlay_start_2:
0x183: {  	(tag) =	ssettag $0x2  }
0x184: {  	s0 =	rddreg [dreg:$0x0];
	s2 =	stileid.u32  }
0x185: {  	s1 =	rddreg [dreg:$0x1];
	p0 =	sne.s32 s2, $0x0  }
0x186: {  	s3 =	rddreg [dreg:$0x2];
	[bflag:$0x3] =	sbarrier.arrive $0xFFFF;
	s2 =	simm.s32 @!p0 $0x1C03  }
0x187: {  	[timem:s3], [sflag:s2] =	dma.local @!p0 [hbm:s0], s1  }
0x188: {  	s0 =	simm.s32 @!p0 $0x3  }
0x189: {  	_ =	swait.ge @!p0 [sflag:s0], s1  }
0x18a: {  	s1 =	ssub.s32 @!p0 $0x0, s1;
	[sflag:s0] =	ssyncset.done @!p0 $0x0  }
0x18b: {  	[sflag:s0] =	ssyncadd.s32 @!p0 s1  }
0x18c: {  	[bflag:$0x3] =	sbarrier.arrive $0xFFFF  }
0x18d: {  	_ =	shalt  }

// kernel: sparse-core-data-format-call.cloned.1.call-start
scs
called_computation_lowered:
.L_overlay_start_0:
0x0: {  	s2 =	sld [smem:$0x3FD9]  }
0x1: {  	s3 =	sld [smem:$0x3FFE];
	_ =	sdelay $0x1  }
0x2: {  	s1 =	srdreg.scid  }
0x3: {  	s0 =	sand.u32 $0x1, s1  }
0x4: {  	s18 =	sshll.u32 s0, $0xA;
	s2 =	sadd.s32 s3, s2  }
0x5: {  	s2 =	sadd.s32 s2, s18  }
0x6: {  	[smem:$0x3FC6] =	sst s2  }
0x7: {  	_ = 	snop  }
0x8: {  	s2 =	sld [smem:$0x3FD0];
	(tm) =	ssettm $0x1  }
0x9: {  	s19 =	sld [smem:$0x3FFB];
	_ =	sdelay $0x3  }
0xa: {  	_ =	strace s19  }
0xb: {  	s3 =	sld [smem:$0x3FFC];
	_ =	sdelay $0x3  }
0xc: {  	_ =	strace s3  }
0xd: {  	s3 =	sld [smem:$0x3FFD];
	_ =	sdelay $0x3  }
0xe: {  	_ =	strace s3  }
0xf: {  	_ =	strace $0x8FFFFFFF  }
0x10: {  	s20 =	sld [smem:$0x3FDB];
	_ =	sdelay $0x1  }
0x11: {  	s4 =	simm.s32 $_scs_section_size  }
0x12: {  	s5 =	simm.s32 $_size__tile_overlayer_lowered;
	s6 =	simm.s32 $_tile_overlayer_lowered  }
0x13: {  	s23 =	simm.s32 $0x1BFF;
	s22 =	sshll.u32 s6, $0x1;
	s3 =	sadd.s32 s4, s20  }
0x14: {  	s7 =	simm.s32 $0x0;
	s21 =	sshll.u32 s5, $0x1;
	s5 =	sadd.s32 s22, s3  }
0x15: {  	[timem:s7], [sflag:s23] =	dma.local [hbm:s5], s21  }
0x16: {  	_ =	swait.ge [sflag:s23], s21  }
0x17: {  	s4 =	ssub.s32 $0x0, s21;
	[sflag:s23] =	ssyncset.done $0x0  }
0x18: {  	[sflag:s23] =	ssyncadd.s32 s4;
	_ =	sdelay $0x1  }
0x19: {  	s24 =	simm.s32 $0x1B8B  }
0x1a: {  	_ =	swait.ge [sflag:s24], $0x1  }
0x1b: {  	[sflag:s24] =	ssyncset.done $0x0  }
0x1c: {  	s26 =	simm.s32 $0x1B8E;
	s25 =	sld [smem:$0x3FFE];
	[sflag:s24] =	ssyncadd.s32 $0xFFFFFFFF  }
0x1d: {  	s27 =	simm.s32 $execute0_lowered;
	[smem:$0x3FD2] =	sst s26  }
0x1e: {  	s5 =	sshll.u32 s27, $0x1;
	_ =	strace $0x80000049;
	[dreg:$0x1] =	wrdreg $0xFFFFFFFF  }
0x1f: {  	s28 =	simm.s32 $_size_execute0_lowered;
	s3 =	sadd.s32 s3, s5;
	[dreg:$0x0] =	wrdreg $0x0  }
0x20: {  	s5 =	sshll.u32 s28, $0x1;
	[dreg:$0x2] =	wrdreg s3  }
0x21: {  	[dreg:$0x3] =	wrdreg s5  }
0x22: {  	[dreg:$0x4] =	wrdreg $0xC0  }
0x23: {  	_ =	task [dreg:s7], $0x5FFFF  }
0x24: {  	[dreg:$0x1] =	wrdreg $0xFFFFFFFF  }
0x25: {  	[dreg:$0x0] =	wrdreg $0x60  }
0x26: {  	[dreg:$0x2] =	wrdreg s25  }
0x27: {  	[dreg:$0x3] =	wrdreg s2  }
0x28: {  	[dreg:$0x4] =	wrdreg $0x9  }
0x29: {  	_ =	task.clear_ibuf [dreg:s7], $0x5FFFF;
	_ =	strace $0x90000049  }
0x2a: {  	s29 =	simm.s32 $0x9;
	_ =	strace $0x8000004B  }
0x2b: {  	_ =	swait.ge [sflag:s29], $0x1  }
0x2c: {  	[sflag:s29] =	ssyncadd.s32 $0xFFFFFFFF  }
0x2d: {  	_ =	strace $0x9000004B  }
0x2e: {  	_ =	sfence  }
0x2f: {  	s30 =	sld [smem:$0x0];
	_ =	sdelay $0x2  }
0x30: {  	s31 =	sshll.u32 s1, $0xD;
	s1 =	sshrl.u32 s1, $0x2  }
0x31: {  	s3 =	sand.u32 $0x4000, s31;
	s1 =	sadd.s32 s1, s30  }
0x32: {  	s0 =	sor.u32 s3, s0;
	s1 =	sshll.u32 s1, $0x11  }
0x33: {  	s0 =	sor.u32 s1, s0  }
0x34: {  	s0 =	sadd.s32 $0x8F2B, s0  }
0x35: {  	[sflag:s0] =	ssyncadd.remote.s32 $0x1  }
0x36: {  	_ =	sfence.sel $0xFFFF  }
0x37: {  	[dreg:$0x0] =	wrdreg $0xFFFFFFFF;
	(pc) =	sbr.abs _section_cstart, $3  }
0x38: {  	[dreg:$0x1] =	wrdreg $0xFFFFFFFF  }
0x39: {  	_ =	task.clear_ibuf [dreg:s7], $0x2FFFF;
	_ =	strace $0x9FFFFFFF  }
0x3a: {  	(tm) =	ssettm $0x7FFFFFFF  }
0x3b: {  	_ =	shalt  }
tec
execute0_lowered:
.L_overlay_start_1:
0x0: {  	(tag) =	ssettag $0x1  }
0x1: {  	s0 =	srdreg.scid  }
0x2: {  	s1 =	sshll.u32 s0, $0x4  }
0x3: {  	s0 =	stileid.u32;
	s1 =	sand.u32 $0x10, s1  }
0x4: {  	s1 =	sor.u32 s0, s1  }
0x5: {  	s6 =	rddreg [dreg:$0x0];
	s4 =	simm.s32 $0x1;
	s2 =	sshll.u32 s1, $0x7  }
0x6: {  	s7 =	simm.s32 $0x2;
	s12 =	simm.s32 $0x0;
	s1 =	ssub.s32 $0x1000, s2  }
0x7: {  	s8 =	simm.s32 $0x8000;
	s13 =	simm.s32 $0x0;
	s3 =	sand.u32 $0xF80, s1  }
0x8: {  	s9 =	simm.s32 $0x0;
	s5 =	sshrl.u32 s1, $0xC;
	p0 =	sne.s32 s3, $0x0  }
.Ltmp0:
0x9: {  	s1 =	rddreg [dreg:$0x2];
	s4 =	simm.s32 @!p0 $0x0;
	(pc) =	sbr.rel .LBB1_1-.Ltmp0, $4  }
0xa: {  	s11 =	simm.s32 $0x0;
	s3 =	rddreg [dreg:$0x1];
	s5 =	sadd.s32 s4, s5  }
0xb: {  	_ =	strace $0x8000004A;
	s4 =	simm.s32 $0x1;
	s5 =	smul.u32 $0xC8, s5  }
0xc: {  	s6 =	sadd.s32 $0xA00, s6;
	s10 =	smov.u32 s2;
	[sflag:s4] =	ssyncpa.u1 $0x0  }
0xd: {  	p0 =	por $0x0, $0x0;
	[sflag:s7] =	ssyncpa.u1 $0x0;
	s7 =	sor.u32 $0x1, s5  }
.LBB1_4:
0xe: {  	s16 =	sshll.u32 s13, $0x3;
	s17 =	sand.u32 $0x78, s13  }
0xf: {  	s30 =	sand.u32 $0x7E00, s13;
	s12 =	sshll.u32 s12, $0xF;
	s16 =	sand.u32 $0xC00, s16  }
0x10: {  	[tilespmem:s15+$0x810 ss:$0x81] =	vst.msk $0xffff, v2;
	s31 =	sand.u32 $0x7, s13;
	s16 =	sor.u32 s17, s16;
	s17 =	sadd.s32 s3, s30  }
0x11: {  	[tilespmem:s15+$0x1020 ss:$0x81] =	vst.msk $0xffff, v0;
	s13 =	sshll.u32 s31, $0x12;
	s12 =	sadd.s32 s12, s17;
	s16 =	sshrl.u32 s16, $0x3  }
0x12: {  	[tilespmem:s15+$0x0 ss:$0x81] =	vst.msk $0xffff, v1;
	s13 =	sor.u32 $0x400, s13;
	s12 =	sadd.s32 s16, s12  }
0x13: {  	[hbm4b:s12+s13] =	stream.strided.scatter [tilespmem:s14], [sflag:$0x2], $0x2000, s8, s13, $0x20;
	[tilespmem:$0x8080] =	vst v63  }
.LBB1_5:
0x14: {  	s14 =	sadd.s32 $0x1, s9  }
0x15: {  	s12 =	sadd.s32 $0x1000, s10;
	s16 =	smov.u32 s10;
	p2 =	sgt.s32 s14, $0xC7  }
0x16: {  	s16 =	smov.u32 @p2 s12  }
0x17: {  	s14 =	simm.s32 @p2 $0x0;
	p2 =	sgt.s32 s16, $0xFFF  }
0x18: {  	s16 =	smov.u32 @p2 s2;
	p2 =	sne.s32 s11, s7  }
.Ltmp1:
0x19: {  	p1 =	slt.u32 s11, $0x2;
	(pc) =	sbr.rel @!p2 .LBB1_6-.Ltmp1, $4  }
0x1a: {  	s15 =	simm.s32 @!p1 $0x2  }
0x1b: {  	s13 =	smov.u32 s10;
	p0 =	por !p0, !p0;
	_ =	swait.ge @!p1 [sflag:s15], $0x2000  }
0x1c: {  	s12 =	smov.u32 s9;
	[sflag:s15] =	ssyncset.done @!p1 $0x0;
	s9 =	smov.u32 s14  }
0x1d: {  	s11 =	sadd.s32 $0x1, s11;
	[sflag:s15] =	ssyncadd.s32 @!p1 $0xFFFFE000;
	s10 =	smov.u32 s16  }
.LBB1_1:
0x1e: {  	p1 =	sge.u32 s11, s5  }
0x1f: {  	s14 =	sand.u32 @!p1 $0x1FFFFFF, s9  }
0x20: {  	s15 =	smulhi.u32 @!p1 $0x147AE15, s14;
	_ =	sdelay $0x1  }
0x21: {  	s15 =	smul.u32 @!p1 $0xC8, s15  }
0x22: {  	s16 =	sxor.u32 @!p1 $0xFFFFFFFF, s11;
	s17 =	smul.u32 @!p1 $0xC80, s10  }
0x23: {  	s31 =	sadd.s32 $0xFFFFFFFF, s11;
	s16 =	sshll.u32 @!p1 s16, $0xD;
	s14 =	ssub.s32 @!p1 s14, s15  }
0x24: {  	s15 =	sand.u32 @!p1 $0x2000, s16;
	s16 =	sadd.s32 @!p1 s6, s17;
	s14 =	sshll.u32 @!p1 s14, $0x4  }
0x25: {  	s17 =	simm.s32 @!p1 $0x6400;
	s14 =	sadd.s32 @!p1 s14, s16;
	s16 =	simm.s32 @!p1 $0x40  }
0x26: {  	[tilespmem:s15], [sflag:$0x1] =	stream.strided.gather @!p1 [hbm4b:s14+s16], $0x2000, s17, s16, $0x38;
	[tilespmem:$0x8080] =	vst v63  }
0x27: {  	p1 =	sge.u32 s31, s5  }
.Ltmp2:
0x28: {  	_ = 	snop;
	(pc) =	sbr.rel @p1 .LBB1_5-.Ltmp2, $1  }
0x29: {  	_ =	sdelay $0x3  }
0x2a: {  	s14 =	simm.s32 $0x1  }
0x2b: {  	_ =	swait.ge [sflag:s4], $0x2000;
	s14 =	simm.s32 @!p0 $0x0  }
0x2c: {  	[sflag:s4] =	ssyncset.done $0x0;
	s15 =	sshll.u32 s14, $0xD  }
0x2d: {  	[sflag:s4] =	ssyncadd.s32 $0xFFFFE000;
	s18 =	sor.u32 $0x20, s15  }
0x2e: {  	s14 =	smul.u32 $0x8100, s14;
	v3 =	vld [tilespmem:s18+$0x10]  }
0x2f: {  	s30 =	sand.u32 $0x1, s11;
	v2 =	vld [tilespmem:s18+$0xFFFFFFF0]  }
0x30: {  	s15 =	smul.u32 $0x8100, s30;
	s14 =	sshrl.u32 s14, $0x2;
	v0 =	vld [tilespmem:s18+$0x0]  }
0x31: {  	v1 =	vld [tilespmem:s18+$0xFFFFFFE0];
	s16 =	sor.u32 $0x4000, s14  }
0x32: {  	s31 =	sshrl.u32 s15, $0x2;
	s15 =	sadd.s32 $0x0, s16  }
0x33: {  	s17 =	simm.s32 $0x4;
	s18 =	sadd.s32 $0x40, s18;
	s14 =	sor.u32 $0x4000, s31;
	[tilespmem:s15+$0x1830 ss:$0x81] =	vst.msk $0xffff, v3  }
.LBB1_3:
0x34: {  	v3 =	vld [tilespmem:s18+$0x10];
	p1 =	sne.s32 s17, $0x1FC;
	[tilespmem:s15+$0x810 ss:$0x81] =	vst.msk $0xffff, v2;
	s19 =	smov.u32 s17;
	s17 =	sadd.s32 $0x4, s17  }
.Ltmp3:
0x35: {  	v2 =	vld [tilespmem:s18+$0xFFFFFFF0];
	[tilespmem:s15+$0x1020 ss:$0x81] =	vst.msk $0xffff, v0;
	(pc) =	sbr.rel @p1 .LBB1_3-.Ltmp3, $4  }
0x36: {  	v0 =	vld [tilespmem:s18+$0x0];
	[tilespmem:s15+$0x0 ss:$0x81] =	vst.msk $0xffff, v1  }
0x37: {  	s15 =	sshra.s32 s19, $0x2;
	v1 =	vld [tilespmem:s18+$0xFFFFFFE0]  }
0x38: {  	s15 =	sadd.s32 s15, s16  }
0x39: {  	s18 =	sadd.s32 $0x40, s18;
	[tilespmem:s15+$0x1830 ss:$0x81] =	vst.msk $0xffff, v3  }
.Ltmp4:
0x3a: {  	_ = 	snop;
	(pc) =	sbr.rel .LBB1_4-.Ltmp4, $1  }
0x3b: {  	_ =	sdelay $0x3  }
.LBB1_6:
0x3c: {  	_ =	sfence.sel $0x180000  }
0x3d: {  	s2 =	simm.s32 $0x1;
	[bflag:$0x0] =	sbarrier.arrive $0xFFFF  }
0x3e: {  	s31 =	simm.s32 $0x2;
	[sflag:s2] =	ssyncpa.u1 $0x1  }
0x3f: {  	[sflag:s31] =	ssyncpa.u1 $0x1  }
0x40: {  	p0 =	sne.s32 s0, $0x0;
	_ =	strace $0x9000004A  }
0x41: {  	s0 =	sadd.s32 @!p0 $0x100000, s1;
	[bflag:$0x2] =	sbarrier.arrive $0xFFFF  }
0x42: {  	[sflag:s0] =	ssyncadd.tile.s32 @!p0 $0x1;
	_ =	shalt  }
.Lfunc_end1:
_tile_overlayer_lowered:
.L_overlay_start_2:
0x43: {  	(tag) =	ssettag $0x2  }
0x44: {  	s0 =	rddreg [dreg:$0x0];
	s2 =	stileid.u32  }
0x45: {  	s1 =	rddreg [dreg:$0x1];
	p0 =	sne.s32 s2, $0x0  }
0x46: {  	s3 =	rddreg [dreg:$0x2];
	[bflag:$0x3] =	sbarrier.arrive $0xFFFF;
	s2 =	simm.s32 @!p0 $0x1C01  }
0x47: {  	[timem:s3], [sflag:s2] =	dma.local @!p0 [hbm:s0], s1  }
0x48: {  	s0 =	simm.s32 @!p0 $0x1  }
0x49: {  	_ =	swait.ge @!p0 [sflag:s0], s1  }
0x4a: {  	s1 =	ssub.s32 @!p0 $0x0, s1;
	[sflag:s0] =	ssyncset.done @!p0 $0x0  }
0x4b: {  	[sflag:s0] =	ssyncadd.s32 @!p0 s1  }
0x4c: {  	[bflag:$0x3] =	sbarrier.arrive $0xFFFF  }
0x4d: {  	_ =	shalt  }

</sc_bundles>
